<compile_context>
chip_gen: v7x
topology: tpu7x:2x2x1
jax: 0.10.2.dev20260603
libtpu: 0.0.44.dev20260713+nightly
codegen_flags: <defaults>
</compile_context>

<pallas_src>
import functools

import jax
import jax.numpy as jnp
from jax import lax
from jax.experimental import pallas as pl
from jax.experimental.pallas import tpu as pltpu
from jax.experimental.pallas import tpu_sc as plsc

_EMB = 32
_K = 5
_PAD = 128


def _sc_gather(user, item, user_emb, item_emb, user_topk, item_topk):
    B = user.shape[0]
    info = plsc.get_sparse_core_info()
    NC, NS = info.num_cores, info.num_subcores
    NW = NC * NS
    bpw = B // NW
    npw = bpw * _K

    mesh = plsc.VectorSubcoreMesh(core_axis_name="c", subcore_axis_name="s")

    @functools.partial(
        pl.kernel,
        out_type=(
            jax.ShapeDtypeStruct((B, _PAD), jnp.bfloat16),
            jax.ShapeDtypeStruct((_K, B, _PAD), jnp.bfloat16),
            jax.ShapeDtypeStruct((B, _PAD), jnp.bfloat16),
            jax.ShapeDtypeStruct((_K, B, _PAD), jnp.bfloat16),
        ),
        mesh=mesh,
        scratch_types=[
            pltpu.VMEM((bpw,), jnp.int32),
            pltpu.VMEM((bpw,), jnp.int32),
            pltpu.VMEM((npw,), jnp.int32),
            pltpu.VMEM((npw,), jnp.int32),
            pltpu.VMEM((bpw, _EMB), jnp.bfloat16),
            pltpu.VMEM((npw, _EMB), jnp.bfloat16),
            pltpu.SemaphoreType.DMA,
        ],
        compiler_params=pltpu.CompilerParams(use_tc_tiling_on_sc=False),
    )
    def k(user_h, item_h, uemb_h, iemb_h, utopk_h, itopk_h,
          out_ut, out_un, out_it, out_in,
          uid_v, iid_v, tidx_v, nid_v, targ_v, neib_v, sem):
        wid = lax.axis_index("s") * NC + lax.axis_index("c")
        base = wid * bpw
        pltpu.sync_copy(user_h.at[pl.ds(base, bpw)], uid_v)
        pltpu.sync_copy(item_h.at[pl.ds(base, bpw)], iid_v)

        def side(id_v, topk_h, emb_h, out_t, out_n):
            def build(c, carry):
                idk = id_v[pl.ds(c * 16, 16)] * _K
                for kk in range(_K):
                    tidx_v[pl.ds(kk * bpw + c * 16, 16)] = idk + kk
                return carry

            lax.fori_loop(0, bpw // 16, build, 0)

            pltpu.async_copy(emb_h.at[id_v], targ_v, sem).wait()
            pltpu.sync_copy(targ_v,
                            out_t.at[pl.ds(base, bpw), pl.ds(0, _EMB)])

            pltpu.async_copy(topk_h.at[tidx_v], nid_v, sem).wait()
            pltpu.async_copy(emb_h.at[nid_v], neib_v, sem).wait()
            for kk in range(_K):
                pltpu.sync_copy(
                    neib_v.at[pl.ds(kk * bpw, bpw), :],
                    out_n.at[kk, pl.ds(base, bpw), pl.ds(0, _EMB)])

        side(uid_v, utopk_h, uemb_h, out_ut, out_un)
        side(iid_v, itopk_h, iemb_h, out_it, out_in)

    return k(user, item, user_emb, item_emb,
             user_topk.reshape(-1), item_topk.reshape(-1))


def _tc_mlp(u_t, u_n, i_t, i_n, W1u, W1n_u, W1i, W1n_i, b1, W2, b2, W3, b3):
    B = u_t.shape[0]
    bB = 2048
    NN = _K * _EMB
    H1 = W2.shape[0]
    H2 = W2.shape[1]

    def body(ut_ref, un_ref, it_ref, in_ref,
             w1u_ref, w1un_ref, w1i_ref, w1in_ref,
             b1_ref, w2_ref, b2_ref, w3_ref, b3_ref, o_ref):
        ut = ut_ref[:, :_EMB].astype(jnp.float32)
        it = it_ref[:, :_EMB].astype(jnp.float32)
        h1 = jnp.dot(ut, w1u_ref[...], preferred_element_type=jnp.float32)
        h1 = h1 + jnp.dot(it, w1i_ref[...], preferred_element_type=jnp.float32)
        for kk in range(_K):
            wu = w1un_ref[pl.ds(kk * _EMB, _EMB), :]
            wi = w1in_ref[pl.ds(kk * _EMB, _EMB), :]
            un = un_ref[kk, :, :_EMB].astype(jnp.float32)
            inn = in_ref[kk, :, :_EMB].astype(jnp.float32)
            h1 = h1 + jnp.dot(un, wu, preferred_element_type=jnp.float32)
            h1 = h1 + jnp.dot(inn, wi, preferred_element_type=jnp.float32)
        h1 = jnp.maximum(h1 + b1_ref[...], 0.0)
        h2 = jnp.dot(h1, w2_ref[...], preferred_element_type=jnp.float32)
        h2 = jnp.maximum(h2 + b2_ref[...], 0.0)
        o = jnp.dot(h2, w3_ref[...], preferred_element_type=jnp.float32)
        o_ref[...] = o + b3_ref[0, 0]

    return pl.pallas_call(
        body,
        grid=(B // bB,),
        in_specs=[
            pl.BlockSpec((bB, _PAD), lambda i: (i, 0)),
            pl.BlockSpec((_K, bB, _PAD), lambda i: (0, i, 0)),
            pl.BlockSpec((bB, _PAD), lambda i: (i, 0)),
            pl.BlockSpec((_K, bB, _PAD), lambda i: (0, i, 0)),
            pl.BlockSpec((_EMB, H1), lambda i: (0, 0)),
            pl.BlockSpec((NN, H1), lambda i: (0, 0)),
            pl.BlockSpec((_EMB, H1), lambda i: (0, 0)),
            pl.BlockSpec((NN, H1), lambda i: (0, 0)),
            pl.BlockSpec((1, H1), lambda i: (0, 0)),
            pl.BlockSpec((H1, H2), lambda i: (0, 0)),
            pl.BlockSpec((1, H2), lambda i: (0, 0)),
            pl.BlockSpec((H2, 1), lambda i: (0, 0)),
            pl.BlockSpec((1, 1), lambda i: (0, 0)),
        ],
        out_specs=pl.BlockSpec((bB, 1), lambda i: (i, 0)),
        out_shape=jax.ShapeDtypeStruct((B, 1), jnp.float32),
        compiler_params=pltpu.CompilerParams(
            dimension_semantics=("parallel",)),
    )(u_t, u_n, i_t, i_n,
      W1u, W1n_u, W1i, W1n_i, b1, W2, b2, W3, b3)


def kernel(user, item, user_emb, item_emb, user_topk, item_topk,
           W1, b1, W2, b2, W3, b3):
    B = user.shape[0]
    user = user.astype(jnp.int32)
    item = item.astype(jnp.int32)
    user_topk = user_topk.astype(jnp.int32)
    item_topk = item_topk.astype(jnp.int32)

    u_t, u_n, i_t, i_n = _sc_gather(
        user, item,
        user_emb.astype(jnp.bfloat16), item_emb.astype(jnp.bfloat16),
        user_topk, item_topk)

    NN = _K * _EMB
    W1u = W1[:_EMB]
    W1n_u = W1[_EMB:_EMB + NN]
    W1i = W1[_EMB + NN:2 * _EMB + NN]
    W1n_i = W1[2 * _EMB + NN:]
    out = _tc_mlp(u_t, u_n, i_t, i_n,
                  W1u, W1n_u, W1i, W1n_i,
                  b1.reshape(1, -1), W2, b2.reshape(1, -1),
                  W3, b3.reshape(1, 1))
    return out.reshape(B)

# --- scband reference (transcript-rebuilt; emitter-appended) ---
"""Pipeline reference for scband-neighbor-aware-57930518888624 (READ-ONLY COPY).

The authoritative reference and input builder live on the scoring server;
editing this copy changes nothing except your own understanding.
"""

import jax, jax.numpy as jnp
import numpy as np

N_USERS = 1000000
N_ITEMS = 1000000
EMB = 32
K = 5
B = 16384


def setup_inputs(seed: int = 0) -> dict:
    key = jax.random.key(seed)
    ks = jax.random.split(key, 12)
    user = jax.random.randint(ks[0], (B,), 0, N_USERS, dtype=jnp.int64 if jax.config.jax_enable_x64 else jnp.int32)
    item = jax.random.randint(ks[1], (B,), 0, N_ITEMS, dtype=jnp.int64 if jax.config.jax_enable_x64 else jnp.int32)
    user_emb = jax.random.normal(ks[2], (N_USERS + 1, EMB), dtype=jnp.float32) * 0.05
    user_emb = user_emb.at[0].set(0.0)  # padding_idx=0
    item_emb = jax.random.normal(ks[3], (N_ITEMS + 1, EMB), dtype=jnp.float32) * 0.05
    item_emb = item_emb.at[0].set(0.0)  # padding_idx=0
    # precomputed top-k neighbor id buffers (0 = padding / no neighbor)
    user_topk = jax.random.randint(ks[4], (N_USERS + 1, K), 0, N_USERS + 1)
    item_topk = jax.random.randint(ks[5], (N_ITEMS + 1, K), 0, N_ITEMS + 1)
    d = 2 * (K + 1) * EMB  # 384
    W1 = jax.random.normal(ks[6], (d, d // 2), dtype=jnp.float32) * 0.02
    b1 = jnp.zeros((d // 2,), dtype=jnp.float32)
    W2 = jax.random.normal(ks[7], (d // 2, d // 4), dtype=jnp.float32) * 0.02
    b2 = jnp.zeros((d // 4,), dtype=jnp.float32)
    W3 = jax.random.normal(ks[8], (d // 4, 1), dtype=jnp.float32) * 0.02
    b3 = jnp.zeros((1,), dtype=jnp.float32)
    return {
        'user': user, 'item': item,
        'user_emb': user_emb, 'item_emb': item_emb,
        'user_topk': user_topk, 'item_topk': item_topk,
        'W1': W1, 'b1': b1, 'W2': W2, 'b2': b2, 'W3': W3, 'b3': b3,
    }


def reference(user, item, user_emb, item_emb, user_topk, item_topk, W1, b1, W2, b2, W3, b3):
    batch_size = user.shape[0]
    # target embeddings (gather)
    u_target = jnp.take(user_emb, user, axis=0)             # [B, EMB]
    i_target = jnp.take(item_emb, item, axis=0)             # [B, EMB]
    # neighbor id lookup (gather) then neighbor embedding gather
    u_nei_ids = jnp.take(user_topk, user, axis=0)           # [B, K]
    u_nei_emb = jnp.take(user_emb, u_nei_ids, axis=0)       # [B, K, EMB]
    i_nei_ids = jnp.take(item_topk, item, axis=0)           # [B, K]
    i_nei_emb = jnp.take(item_emb, i_nei_ids, axis=0)       # [B, K, EMB]
    # mask out padding neighbors (id == 0)
    u_pad_mask = (u_nei_ids == 0)[..., None]
    u_nei_emb = jnp.where(u_pad_mask, 0.0, u_nei_emb)
    i_pad_mask = (i_nei_ids == 0)[..., None]
    i_nei_emb = jnp.where(i_pad_mask, 0.0, i_nei_emb)
    u_nei_flat = u_nei_emb.reshape(batch_size, -1)
    i_nei_flat = i_nei_emb.reshape(batch_size, -1)
    user_side = jnp.concatenate([u_target, u_nei_flat], axis=-1)
    item_side = jnp.concatenate([i_target, i_nei_flat], axis=-1)
    mlp_input = jnp.concatenate([user_side, item_side], axis=-1)  # [B, 2*(K+1)*EMB]
    # MLP (dropout is identity in eval mode)
    h = jax.nn.relu(mlp_input @ W1 + b1)
    h = jax.nn.relu(h @ W2 + b2)
    out = h @ W3 + b3
    return out.squeeze(-1)

if __name__ == "__main__":
    import jax
    _d = setup_inputs()
    print(jax.jit(kernel)(*tuple(_d.values())))

</pallas_src>

<mosaic_0001>
#map = affine_map<(d0, d1) -> (0)>
#map1 = affine_map<(d0, d1) -> (0, 0)>
#map2 = affine_map<(d0, d1) -> (0, 0, 0)>
module attributes {stable_mosaic.version = 14 : i64} {
  func.func @k(%arg0: i32, %arg1: i32, %arg2: memref<16384xi32, #tpu.memory_space<hbm>>, %arg3: memref<16384xi32, #tpu.memory_space<hbm>>, %arg4: memref<1000001x32xbf16, #tpu.memory_space<hbm>>, %arg5: memref<1000001x32xbf16, #tpu.memory_space<hbm>>, %arg6: memref<5000005xi32, #tpu.memory_space<hbm>>, %arg7: memref<5000005xi32, #tpu.memory_space<hbm>>, %arg8: memref<16384x128xbf16, #tpu.memory_space<hbm>>, %arg9: memref<5x16384x128xbf16, #tpu.memory_space<hbm>>, %arg10: memref<16384x128xbf16, #tpu.memory_space<hbm>>, %arg11: memref<5x16384x128xbf16, #tpu.memory_space<hbm>>, %arg12: memref<512xi32, #tpu.memory_space<vmem>>, %arg13: memref<512xi32, #tpu.memory_space<vmem>>, %arg14: memref<2560xi32, #tpu.memory_space<vmem>>, %arg15: memref<2560xi32, #tpu.memory_space<vmem>>, %arg16: memref<512x32xbf16, #tpu.memory_space<vmem>>, %arg17: memref<2560x32xbf16, #tpu.memory_space<vmem>>, %arg18: memref<!tpu.dma_semaphore, #tpu.memory_space<semaphore_mem>>) attributes {dimension_semantics = [#tpu.dimension_semantics<core_parallel>, #tpu.dimension_semantics<subcore_parallel>], iteration_bounds = array<i64: 2, 16>, scalar_prefetch = 0 : i64, scratch_operands = 7 : i64, tpu.core_type = #tpu.core_type<sc_vector_subcore>, window_params = [{transform_indices = #map}, {transform_indices = #map}, {transform_indices = #map1}, {transform_indices = #map1}, {transform_indices = #map}, {transform_indices = #map}, {transform_indices = #map1}, {transform_indices = #map2}, {transform_indices = #map1}, {transform_indices = #map2}]} {
    %mul3A = arith.constant 2 : i32
    %mul3A_0 = arith.muli %arg1, %mul3A : i32
    %add3A = arith.addi %mul3A_0, %arg0 : i32
    %mul3A_1 = arith.constant 512 : i32
    %mul3A_2 = arith.muli %add3A, %mul3A_1 : i32
    "tpu.region"() ({
      %run_scoped3A_53 = tpu.sem_alloc : memref<!tpu.dma_semaphore, #tpu.memory_space<semaphore_mem>>
      %dma_start3A_54 = tpu.memref_slice %arg2[%mul3A_2] : memref<16384xi32, #tpu.memory_space<hbm>> -> memref<512xi32, #tpu.memory_space<hbm>>
      %dma_start3A_55 = tpu.memref_slice %arg2[%mul3A_2] : memref<16384xi32, #tpu.memory_space<hbm>> -> memref<512xi32, #tpu.memory_space<hbm>>
      tpu.enqueue_dma source(%dma_start3A_55 : memref<512xi32, #tpu.memory_space<hbm>>) target(%arg12 : memref<512xi32, #tpu.memory_space<vmem>>) target_semaphore(%run_scoped3A_53 : memref<!tpu.dma_semaphore, #tpu.memory_space<semaphore_mem>>)
      %dma_wait3A_56 = tpu.memref_slice %arg2[%mul3A_2] : memref<16384xi32, #tpu.memory_space<hbm>> -> memref<512xi32, #tpu.memory_space<hbm>>
      %dma_wait3A_57 = tpu.memref_slice %arg2[%mul3A_2] : memref<16384xi32, #tpu.memory_space<hbm>> -> memref<512xi32, #tpu.memory_space<hbm>>
      tpu.wait_dma2 semaphore(%run_scoped3A_53 : memref<!tpu.dma_semaphore, #tpu.memory_space<semaphore_mem>>) src(%dma_wait3A_57 : memref<512xi32, #tpu.memory_space<hbm>>) dst(%arg12 : memref<512xi32, #tpu.memory_space<vmem>>)
      tpu.yield
    }) : () -> ()
    "tpu.region"() ({
      %run_scoped3A_53 = tpu.sem_alloc : memref<!tpu.dma_semaphore, #tpu.memory_space<semaphore_mem>>
      %dma_start3A_54 = tpu.memref_slice %arg3[%mul3A_2] : memref<16384xi32, #tpu.memory_space<hbm>> -> memref<512xi32, #tpu.memory_space<hbm>>
      %dma_start3A_55 = tpu.memref_slice %arg3[%mul3A_2] : memref<16384xi32, #tpu.memory_space<hbm>> -> memref<512xi32, #tpu.memory_space<hbm>>
      tpu.enqueue_dma source(%dma_start3A_55 : memref<512xi32, #tpu.memory_space<hbm>>) target(%arg13 : memref<512xi32, #tpu.memory_space<vmem>>) target_semaphore(%run_scoped3A_53 : memref<!tpu.dma_semaphore, #tpu.memory_space<semaphore_mem>>)
      %dma_wait3A_56 = tpu.memref_slice %arg3[%mul3A_2] : memref<16384xi32, #tpu.memory_space<hbm>> -> memref<512xi32, #tpu.memory_space<hbm>>
      %dma_wait3A_57 = tpu.memref_slice %arg3[%mul3A_2] : memref<16384xi32, #tpu.memory_space<hbm>> -> memref<512xi32, #tpu.memory_space<hbm>>
      tpu.wait_dma2 semaphore(%run_scoped3A_53 : memref<!tpu.dma_semaphore, #tpu.memory_space<semaphore_mem>>) src(%dma_wait3A_57 : memref<512xi32, #tpu.memory_space<hbm>>) dst(%arg13 : memref<512xi32, #tpu.memory_space<vmem>>)
      tpu.yield
    }) : () -> ()
    %scan3A = arith.constant 0 : i32
    %scan3A_3 = arith.constant 0 : i32
    %scan3A_4 = arith.constant 32 : i32
    %scan3A_5 = arith.addi %scan3A_3, %scan3A_4 : i32
    %scan3A_6 = arith.constant 1 : i32
    scf.for %scan3A_53 = %scan3A_3 to %scan3A_5 step %scan3A_6  : i32 {
      %mul3A_54 = arith.constant 16 : i32
      %mul3A_55 = arith.muli %scan3A_53, %mul3A_54 : i32
      %get3A = arith.index_cast %mul3A_55 : i32 to index
      %get3A_56 = tpu.vector_load %arg12[%get3A] {strides = array<i32>} : memref<512xi32, #tpu.memory_space<vmem>>, vector<16xi32>,
      %get3A_57 = vector.shape_cast %get3A_56 : vector<16xi32> to vector<16xi32>
      %mul3A_58 = arith.constant 5 : i32
      %mul3A_59 = vector.broadcast %mul3A_58 : i32 to vector<16xi32>
      %mul3A_60 = arith.muli %get3A_57, %mul3A_59 : vector<16xi32>
      %add3A_61 = arith.constant 0 : i32
      %add3A_62 = vector.broadcast %add3A_61 : i32 to vector<16xi32>
      %add3A_63 = arith.addi %mul3A_60, %add3A_62 : vector<16xi32>
      %mul3A_64 = arith.constant 16 : i32
      %mul3A_65 = arith.muli %scan3A_53, %mul3A_64 : i32
      %add3A_66 = arith.constant 0 : i32
      %add3A_67 = arith.addi %add3A_66, %mul3A_65 : i32
      %swap3A = arith.index_cast %add3A_67 : i32 to index
      %swap3A_68 = tpu.vector_load %arg14[%swap3A] {strides = array<i32>} : memref<2560xi32, #tpu.memory_space<vmem>>, vector<16xi32>,
      %swap3A_69 = vector.shape_cast %swap3A_68 : vector<16xi32> to vector<16xi32>
      %swap3A_70 = vector.shape_cast %add3A_63 : vector<16xi32> to vector<16xi32>
      tpu.vector_store %arg14[%swap3A], %swap3A_70 {strides = array<i32>} : memref<2560xi32, #tpu.memory_space<vmem>>, vector<16xi32>,
      %add3A_71 = arith.constant 1 : i32
      %add3A_72 = vector.broadcast %add3A_71 : i32 to vector<16xi32>
      %add3A_73 = arith.addi %mul3A_60, %add3A_72 : vector<16xi32>
      %mul3A_74 = arith.constant 16 : i32
      %mul3A_75 = arith.muli %scan3A_53, %mul3A_74 : i32
      %add3A_76 = arith.constant 512 : i32
      %add3A_77 = arith.addi %add3A_76, %mul3A_75 : i32
      %swap3A_78 = arith.index_cast %add3A_77 : i32 to index
      %swap3A_79 = tpu.vector_load %arg14[%swap3A_78] {strides = array<i32>} : memref<2560xi32, #tpu.memory_space<vmem>>, vector<16xi32>,
      %swap3A_80 = vector.shape_cast %swap3A_79 : vector<16xi32> to vector<16xi32>
      %swap3A_81 = vector.shape_cast %add3A_73 : vector<16xi32> to vector<16xi32>
      tpu.vector_store %arg14[%swap3A_78], %swap3A_81 {strides = array<i32>} : memref<2560xi32, #tpu.memory_space<vmem>>, vector<16xi32>,
      %add3A_82 = arith.constant 2 : i32
      %add3A_83 = vector.broadcast %add3A_82 : i32 to vector<16xi32>
      %add3A_84 = arith.addi %mul3A_60, %add3A_83 : vector<16xi32>
      %mul3A_85 = arith.constant 16 : i32
      %mul3A_86 = arith.muli %scan3A_53, %mul3A_85 : i32
      %add3A_87 = arith.constant 1024 : i32
      %add3A_88 = arith.addi %add3A_87, %mul3A_86 : i32
      %swap3A_89 = arith.index_cast %add3A_88 : i32 to index
      %swap3A_90 = tpu.vector_load %arg14[%swap3A_89] {strides = array<i32>} : memref<2560xi32, #tpu.memory_space<vmem>>, vector<16xi32>,
      %swap3A_91 = vector.shape_cast %swap3A_90 : vector<16xi32> to vector<16xi32>
      %swap3A_92 = vector.shape_cast %add3A_84 : vector<16xi32> to vector<16xi32>
      tpu.vector_store %arg14[%swap3A_89], %swap3A_92 {strides = array<i32>} : memref<2560xi32, #tpu.memory_space<vmem>>, vector<16xi32>,
      %add3A_93 = arith.constant 3 : i32
      %add3A_94 = vector.broadcast %add3A_93 : i32 to vector<16xi32>
      %add3A_95 = arith.addi %mul3A_60, %add3A_94 : vector<16xi32>
      %mul3A_96 = arith.constant 16 : i32
      %mul3A_97 = arith.muli %scan3A_53, %mul3A_96 : i32
      %add3A_98 = arith.constant 1536 : i32
      %add3A_99 = arith.addi %add3A_98, %mul3A_97 : i32
      %swap3A_100 = arith.index_cast %add3A_99 : i32 to index
      %swap3A_101 = tpu.vector_load %arg14[%swap3A_100] {strides = array<i32>} : memref<2560xi32, #tpu.memory_space<vmem>>, vector<16xi32>,
      %swap3A_102 = vector.shape_cast %swap3A_101 : vector<16xi32> to vector<16xi32>
      %swap3A_103 = vector.shape_cast %add3A_95 : vector<16xi32> to vector<16xi32>
      tpu.vector_store %arg14[%swap3A_100], %swap3A_103 {strides = array<i32>} : memref<2560xi32, #tpu.memory_space<vmem>>, vector<16xi32>,
      %add3A_104 = arith.constant 4 : i32
      %add3A_105 = vector.broadcast %add3A_104 : i32 to vector<16xi32>
      %add3A_106 = arith.addi %mul3A_60, %add3A_105 : vector<16xi32>
      %mul3A_107 = arith.constant 16 : i32
      %mul3A_108 = arith.muli %scan3A_53, %mul3A_107 : i32
      %add3A_109 = arith.constant 2048 : i32
      %add3A_110 = arith.addi %add3A_109, %mul3A_108 : i32
      %swap3A_111 = arith.index_cast %add3A_110 : i32 to index
      %swap3A_112 = tpu.vector_load %arg14[%swap3A_111] {strides = array<i32>} : memref<2560xi32, #tpu.memory_space<vmem>>, vector<16xi32>,
      %swap3A_113 = vector.shape_cast %swap3A_112 : vector<16xi32> to vector<16xi32>
      %swap3A_114 = vector.shape_cast %add3A_106 : vector<16xi32> to vector<16xi32>
      tpu.vector_store %arg14[%swap3A_111], %swap3A_114 {strides = array<i32>} : memref<2560xi32, #tpu.memory_space<vmem>>, vector<16xi32>,
    }
    %scan3A_7 = arith.constant 32 : i32
    %dma_start3A = arith.constant 0 : i32
    %dma_start3A_8 = arith.constant 0 : i32
    %dma_start3A_9 = tpu.memref_slice %arg4[%dma_start3A, %dma_start3A_8] : memref<1000001x32xbf16, #tpu.memory_space<hbm>> -> memref<1000001x32xbf16, #tpu.memory_space<hbm>>
    tpu.enqueue_indirect_dma source(%dma_start3A_9 : memref<1000001x32xbf16, #tpu.memory_space<hbm>>) target(%arg16 : memref<512x32xbf16, #tpu.memory_space<vmem>>) offsets(%arg12 : memref<512xi32, #tpu.memory_space<vmem>>) semaphore(%arg18 : memref<!tpu.dma_semaphore, #tpu.memory_space<semaphore_mem>>)
    %dma_wait3A = arith.constant 0 : i32
    %dma_wait3A_10 = arith.constant 0 : i32
    %dma_wait3A_11 = tpu.memref_slice %arg4[%dma_wait3A, %dma_wait3A_10] : memref<1000001x32xbf16, #tpu.memory_space<hbm>> -> memref<1000001x32xbf16, #tpu.memory_space<hbm>>
    tpu.wait_indirect_dma semaphore(%arg18 : memref<!tpu.dma_semaphore, #tpu.memory_space<semaphore_mem>>) src(%dma_wait3A_11 : memref<1000001x32xbf16, #tpu.memory_space<hbm>>) dst(%arg16 : memref<512x32xbf16, #tpu.memory_space<vmem>>)
    "tpu.region"() ({
      %run_scoped3A_53 = tpu.sem_alloc : memref<!tpu.dma_semaphore, #tpu.memory_space<semaphore_mem>>
      %dma_start3A_54 = arith.constant 0 : i32
      %dma_start3A_55 = tpu.memref_slice %arg8[%mul3A_2, %dma_start3A_54] : memref<16384x128xbf16, #tpu.memory_space<hbm>> -> memref<512x32xbf16, #tpu.memory_space<hbm>>
      %dma_start3A_56 = arith.constant 0 : i32
      %dma_start3A_57 = tpu.memref_slice %arg8[%mul3A_2, %dma_start3A_56] : memref<16384x128xbf16, #tpu.memory_space<hbm>> -> memref<512x32xbf16, #tpu.memory_space<hbm>>
      tpu.enqueue_dma source(%arg16 : memref<512x32xbf16, #tpu.memory_space<vmem>>) target(%dma_start3A_57 : memref<512x32xbf16, #tpu.memory_space<hbm>>) target_semaphore(%run_scoped3A_53 : memref<!tpu.dma_semaphore, #tpu.memory_space<semaphore_mem>>)
      %dma_wait3A_58 = arith.constant 0 : i32
      %dma_wait3A_59 = tpu.memref_slice %arg8[%mul3A_2, %dma_wait3A_58] : memref<16384x128xbf16, #tpu.memory_space<hbm>> -> memref<512x32xbf16, #tpu.memory_space<hbm>>
      %dma_wait3A_60 = arith.constant 0 : i32
      %dma_wait3A_61 = tpu.memref_slice %arg8[%mul3A_2, %dma_wait3A_60] : memref<16384x128xbf16, #tpu.memory_space<hbm>> -> memref<512x32xbf16, #tpu.memory_space<hbm>>
      tpu.wait_dma2 semaphore(%run_scoped3A_53 : memref<!tpu.dma_semaphore, #tpu.memory_space<semaphore_mem>>) src(%arg16 : memref<512x32xbf16, #tpu.memory_space<vmem>>) dst(%dma_wait3A_61 : memref<512x32xbf16, #tpu.memory_space<hbm>>)
      tpu.yield
    }) : () -> ()
    %dma_start3A_12 = arith.constant 0 : i32
    %dma_start3A_13 = tpu.memref_slice %arg6[%dma_start3A_12] : memref<5000005xi32, #tpu.memory_space<hbm>> -> memref<5000005xi32, #tpu.memory_space<hbm>>
    tpu.enqueue_indirect_dma source(%dma_start3A_13 : memref<5000005xi32, #tpu.memory_space<hbm>>) target(%arg15 : memref<2560xi32, #tpu.memory_space<vmem>>) offsets(%arg14 : memref<2560xi32, #tpu.memory_space<vmem>>) semaphore(%arg18 : memref<!tpu.dma_semaphore, #tpu.memory_space<semaphore_mem>>)
    %dma_wait3A_14 = arith.constant 0 : i32
    %dma_wait3A_15 = tpu.memref_slice %arg6[%dma_wait3A_14] : memref<5000005xi32, #tpu.memory_space<hbm>> -> memref<5000005xi32, #tpu.memory_space<hbm>>
    tpu.wait_indirect_dma semaphore(%arg18 : memref<!tpu.dma_semaphore, #tpu.memory_space<semaphore_mem>>) src(%dma_wait3A_15 : memref<5000005xi32, #tpu.memory_space<hbm>>) dst(%arg15 : memref<2560xi32, #tpu.memory_space<vmem>>)
    %dma_start3A_16 = arith.constant 0 : i32
    %dma_start3A_17 = arith.constant 0 : i32
    %dma_start3A_18 = tpu.memref_slice %arg4[%dma_start3A_16, %dma_start3A_17] : memref<1000001x32xbf16, #tpu.memory_space<hbm>> -> memref<1000001x32xbf16, #tpu.memory_space<hbm>>
    tpu.enqueue_indirect_dma source(%dma_start3A_18 : memref<1000001x32xbf16, #tpu.memory_space<hbm>>) target(%arg17 : memref<2560x32xbf16, #tpu.memory_space<vmem>>) offsets(%arg15 : memref<2560xi32, #tpu.memory_space<vmem>>) semaphore(%arg18 : memref<!tpu.dma_semaphore, #tpu.memory_space<semaphore_mem>>)
    %dma_wait3A_19 = arith.constant 0 : i32
    %dma_wait3A_20 = arith.constant 0 : i32
    %dma_wait3A_21 = tpu.memref_slice %arg4[%dma_wait3A_19, %dma_wait3A_20] : memref<1000001x32xbf16, #tpu.memory_space<hbm>> -> memref<1000001x32xbf16, #tpu.memory_space<hbm>>
    tpu.wait_indirect_dma semaphore(%arg18 : memref<!tpu.dma_semaphore, #tpu.memory_space<semaphore_mem>>) src(%dma_wait3A_21 : memref<1000001x32xbf16, #tpu.memory_space<hbm>>) dst(%arg17 : memref<2560x32xbf16, #tpu.memory_space<vmem>>)
    %run_scoped3A = arith.constant 0 : i32
    "tpu.region"() ({
      %run_scoped3A_53 = tpu.sem_alloc : memref<!tpu.dma_semaphore, #tpu.memory_space<semaphore_mem>>
      %dma_start3A_54 = arith.constant 0 : i32
      %dma_start3A_55 = arith.constant 0 : i32
      %dma_start3A_56 = tpu.memref_slice %arg17[%dma_start3A_54, %dma_start3A_55] : memref<2560x32xbf16, #tpu.memory_space<vmem>> -> memref<512x32xbf16, #tpu.memory_space<vmem>>
      %dma_start3A_57 = arith.constant 0 : i32
      %dma_start3A_58 = tpu.memref_slice %arg9[%run_scoped3A, %mul3A_2, %dma_start3A_57] : memref<5x16384x128xbf16, #tpu.memory_space<hbm>> -> memref<1x512x32xbf16, #tpu.memory_space<hbm>>
      %dma_start3A_59 = tpu.memref_squeeze %dma_start3A_58 : memref<1x512x32xbf16, #tpu.memory_space<hbm>> -> memref<512x32xbf16, #tpu.memory_space<hbm>>
      %dma_start3A_60 = arith.constant 0 : i32
      %dma_start3A_61 = tpu.memref_slice %arg9[%run_scoped3A, %mul3A_2, %dma_start3A_60] : memref<5x16384x128xbf16, #tpu.memory_space<hbm>> -> memref<1x512x32xbf16, #tpu.memory_space<hbm>>
      %dma_start3A_62 = tpu.memref_squeeze %dma_start3A_61 : memref<1x512x32xbf16, #tpu.memory_space<hbm>> -> memref<512x32xbf16, #tpu.memory_space<hbm>>
      %dma_start3A_63 = arith.constant 0 : i32
      %dma_start3A_64 = arith.constant 0 : i32
      %dma_start3A_65 = tpu.memref_slice %arg17[%dma_start3A_63, %dma_start3A_64] : memref<2560x32xbf16, #tpu.memory_space<vmem>> -> memref<512x32xbf16, #tpu.memory_space<vmem>>
      tpu.enqueue_dma source(%dma_start3A_65 : memref<512x32xbf16, #tpu.memory_space<vmem>>) target(%dma_start3A_62 : memref<512x32xbf16, #tpu.memory_space<hbm>>) target_semaphore(%run_scoped3A_53 : memref<!tpu.dma_semaphore, #tpu.memory_space<semaphore_mem>>)
      %dma_wait3A_66 = arith.constant 0 : i32
      %dma_wait3A_67 = arith.constant 0 : i32
      %dma_wait3A_68 = tpu.memref_slice %arg17[%dma_wait3A_66, %dma_wait3A_67] : memref<2560x32xbf16, #tpu.memory_space<vmem>> -> memref<512x32xbf16, #tpu.memory_space<vmem>>
      %dma_wait3A_69 = arith.constant 0 : i32
      %dma_wait3A_70 = tpu.memref_slice %arg9[%run_scoped3A, %mul3A_2, %dma_wait3A_69] : memref<5x16384x128xbf16, #tpu.memory_space<hbm>> -> memref<1x512x32xbf16, #tpu.memory_space<hbm>>
      %dma_wait3A_71 = tpu.memref_squeeze %dma_wait3A_70 : memref<1x512x32xbf16, #tpu.memory_space<hbm>> -> memref<512x32xbf16, #tpu.memory_space<hbm>>
      %dma_wait3A_72 = arith.constant 0 : i32
      %dma_wait3A_73 = tpu.memref_slice %arg9[%run_scoped3A, %mul3A_2, %dma_wait3A_72] : memref<5x16384x128xbf16, #tpu.memory_space<hbm>> -> memref<1x512x32xbf16, #tpu.memory_space<hbm>>
      %dma_wait3A_74 = tpu.memref_squeeze %dma_wait3A_73 : memref<1x512x32xbf16, #tpu.memory_space<hbm>> -> memref<512x32xbf16, #tpu.memory_space<hbm>>
      %dma_wait3A_75 = arith.constant 0 : i32
      %dma_wait3A_76 = arith.constant 0 : i32
      %dma_wait3A_77 = tpu.memref_slice %arg17[%dma_wait3A_75, %dma_wait3A_76] : memref<2560x32xbf16, #tpu.memory_space<vmem>> -> memref<512x32xbf16, #tpu.memory_space<vmem>>
      tpu.wait_dma2 semaphore(%run_scoped3A_53 : memref<!tpu.dma_semaphore, #tpu.memory_space<semaphore_mem>>) src(%dma_wait3A_77 : memref<512x32xbf16, #tpu.memory_space<vmem>>) dst(%dma_wait3A_74 : memref<512x32xbf16, #tpu.memory_space<hbm>>)
      tpu.yield
    }) : () -> ()
    %run_scoped3A_22 = arith.constant 1 : i32
    "tpu.region"() ({
      %run_scoped3A_53 = tpu.sem_alloc : memref<!tpu.dma_semaphore, #tpu.memory_space<semaphore_mem>>
      %dma_start3A_54 = arith.constant 512 : i32
      %dma_start3A_55 = arith.constant 0 : i32
      %dma_start3A_56 = tpu.memref_slice %arg17[%dma_start3A_54, %dma_start3A_55] : memref<2560x32xbf16, #tpu.memory_space<vmem>> -> memref<512x32xbf16, #tpu.memory_space<vmem>>
      %dma_start3A_57 = arith.constant 0 : i32
      %dma_start3A_58 = tpu.memref_slice %arg9[%run_scoped3A_22, %mul3A_2, %dma_start3A_57] : memref<5x16384x128xbf16, #tpu.memory_space<hbm>> -> memref<1x512x32xbf16, #tpu.memory_space<hbm>>
      %dma_start3A_59 = tpu.memref_squeeze %dma_start3A_58 : memref<1x512x32xbf16, #tpu.memory_space<hbm>> -> memref<512x32xbf16, #tpu.memory_space<hbm>>
      %dma_start3A_60 = arith.constant 0 : i32
      %dma_start3A_61 = tpu.memref_slice %arg9[%run_scoped3A_22, %mul3A_2, %dma_start3A_60] : memref<5x16384x128xbf16, #tpu.memory_space<hbm>> -> memref<1x512x32xbf16, #tpu.memory_space<hbm>>
      %dma_start3A_62 = tpu.memref_squeeze %dma_start3A_61 : memref<1x512x32xbf16, #tpu.memory_space<hbm>> -> memref<512x32xbf16, #tpu.memory_space<hbm>>
      %dma_start3A_63 = arith.constant 512 : i32
      %dma_start3A_64 = arith.constant 0 : i32
      %dma_start3A_65 = tpu.memref_slice %arg17[%dma_start3A_63, %dma_start3A_64] : memref<2560x32xbf16, #tpu.memory_space<vmem>> -> memref<512x32xbf16, #tpu.memory_space<vmem>>
      tpu.enqueue_dma source(%dma_start3A_65 : memref<512x32xbf16, #tpu.memory_space<vmem>>) target(%dma_start3A_62 : memref<512x32xbf16, #tpu.memory_space<hbm>>) target_semaphore(%run_scoped3A_53 : memref<!tpu.dma_semaphore, #tpu.memory_space<semaphore_mem>>)
      %dma_wait3A_66 = arith.constant 512 : i32
      %dma_wait3A_67 = arith.constant 0 : i32
      %dma_wait3A_68 = tpu.memref_slice %arg17[%dma_wait3A_66, %dma_wait3A_67] : memref<2560x32xbf16, #tpu.memory_space<vmem>> -> memref<512x32xbf16, #tpu.memory_space<vmem>>
      %dma_wait3A_69 = arith.constant 0 : i32
      %dma_wait3A_70 = tpu.memref_slice %arg9[%run_scoped3A_22, %mul3A_2, %dma_wait3A_69] : memref<5x16384x128xbf16, #tpu.memory_space<hbm>> -> memref<1x512x32xbf16, #tpu.memory_space<hbm>>
      %dma_wait3A_71 = tpu.memref_squeeze %dma_wait3A_70 : memref<1x512x32xbf16, #tpu.memory_space<hbm>> -> memref<512x32xbf16, #tpu.memory_space<hbm>>
      %dma_wait3A_72 = arith.constant 0 : i32
      %dma_wait3A_73 = tpu.memref_slice %arg9[%run_scoped3A_22, %mul3A_2, %dma_wait3A_72] : memref<5x16384x128xbf16, #tpu.memory_space<hbm>> -> memref<1x512x32xbf16, #tpu.memory_space<hbm>>
      %dma_wait3A_74 = tpu.memref_squeeze %dma_wait3A_73 : memref<1x512x32xbf16, #tpu.memory_space<hbm>> -> memref<512x32xbf16, #tpu.memory_space<hbm>>
      %dma_wait3A_75 = arith.constant 512 : i32
      %dma_wait3A_76 = arith.constant 0 : i32
      %dma_wait3A_77 = tpu.memref_slice %arg17[%dma_wait3A_75, %dma_wait3A_76] : memref<2560x32xbf16, #tpu.memory_space<vmem>> -> memref<512x32xbf16, #tpu.memory_space<vmem>>
      tpu.wait_dma2 semaphore(%run_scoped3A_53 : memref<!tpu.dma_semaphore, #tpu.memory_space<semaphore_mem>>) src(%dma_wait3A_77 : memref<512x32xbf16, #tpu.memory_space<vmem>>) dst(%dma_wait3A_74 : memref<512x32xbf16, #tpu.memory_space<hbm>>)
      tpu.yield
    }) : () -> ()
    %run_scoped3A_23 = arith.constant 2 : i32
    "tpu.region"() ({
      %run_scoped3A_53 = tpu.sem_alloc : memref<!tpu.dma_semaphore, #tpu.memory_space<semaphore_mem>>
      %dma_start3A_54 = arith.constant 1024 : i32
      %dma_start3A_55 = arith.constant 0 : i32
      %dma_start3A_56 = tpu.memref_slice %arg17[%dma_start3A_54, %dma_start3A_55] : memref<2560x32xbf16, #tpu.memory_space<vmem>> -> memref<512x32xbf16, #tpu.memory_space<vmem>>
      %dma_start3A_57 = arith.constant 0 : i32
      %dma_start3A_58 = tpu.memref_slice %arg9[%run_scoped3A_23, %mul3A_2, %dma_start3A_57] : memref<5x16384x128xbf16, #tpu.memory_space<hbm>> -> memref<1x512x32xbf16, #tpu.memory_space<hbm>>
      %dma_start3A_59 = tpu.memref_squeeze %dma_start3A_58 : memref<1x512x32xbf16, #tpu.memory_space<hbm>> -> memref<512x32xbf16, #tpu.memory_space<hbm>>
      %dma_start3A_60 = arith.constant 0 : i32
      %dma_start3A_61 = tpu.memref_slice %arg9[%run_scoped3A_23, %mul3A_2, %dma_start3A_60] : memref<5x16384x128xbf16, #tpu.memory_space<hbm>> -> memref<1x512x32xbf16, #tpu.memory_space<hbm>>
      %dma_start3A_62 = tpu.memref_squeeze %dma_start3A_61 : memref<1x512x32xbf16, #tpu.memory_space<hbm>> -> memref<512x32xbf16, #tpu.memory_space<hbm>>
      %dma_start3A_63 = arith.constant 1024 : i32
      %dma_start3A_64 = arith.constant 0 : i32
      %dma_start3A_65 = tpu.memref_slice %arg17[%dma_start3A_63, %dma_start3A_64] : memref<2560x32xbf16, #tpu.memory_space<vmem>> -> memref<512x32xbf16, #tpu.memory_space<vmem>>
      tpu.enqueue_dma source(%dma_start3A_65 : memref<512x32xbf16, #tpu.memory_space<vmem>>) target(%dma_start3A_62 : memref<512x32xbf16, #tpu.memory_space<hbm>>) target_semaphore(%run_scoped3A_53 : memref<!tpu.dma_semaphore, #tpu.memory_space<semaphore_mem>>)
      %dma_wait3A_66 = arith.constant 1024 : i32
      %dma_wait3A_67 = arith.constant 0 : i32
      %dma_wait3A_68 = tpu.memref_slice %arg17[%dma_wait3A_66, %dma_wait3A_67] : memref<2560x32xbf16, #tpu.memory_space<vmem>> -> memref<512x32xbf16, #tpu.memory_space<vmem>>
      %dma_wait3A_69 = arith.constant 0 : i32
      %dma_wait3A_70 = tpu.memref_slice %arg9[%run_scoped3A_23, %mul3A_2, %dma_wait3A_69] : memref<5x16384x128xbf16, #tpu.memory_space<hbm>> -> memref<1x512x32xbf16, #tpu.memory_space<hbm>>
      %dma_wait3A_71 = tpu.memref_squeeze %dma_wait3A_70 : memref<1x512x32xbf16, #tpu.memory_space<hbm>> -> memref<512x32xbf16, #tpu.memory_space<hbm>>
      %dma_wait3A_72 = arith.constant 0 : i32
      %dma_wait3A_73 = tpu.memref_slice %arg9[%run_scoped3A_23, %mul3A_2, %dma_wait3A_72] : memref<5x16384x128xbf16, #tpu.memory_space<hbm>> -> memref<1x512x32xbf16, #tpu.memory_space<hbm>>
      %dma_wait3A_74 = tpu.memref_squeeze %dma_wait3A_73 : memref<1x512x32xbf16, #tpu.memory_space<hbm>> -> memref<512x32xbf16, #tpu.memory_space<hbm>>
      %dma_wait3A_75 = arith.constant 1024 : i32
      %dma_wait3A_76 = arith.constant 0 : i32
      %dma_wait3A_77 = tpu.memref_slice %arg17[%dma_wait3A_75, %dma_wait3A_76] : memref<2560x32xbf16, #tpu.memory_space<vmem>> -> memref<512x32xbf16, #tpu.memory_space<vmem>>
      tpu.wait_dma2 semaphore(%run_scoped3A_53 : memref<!tpu.dma_semaphore, #tpu.memory_space<semaphore_mem>>) src(%dma_wait3A_77 : memref<512x32xbf16, #tpu.memory_space<vmem>>) dst(%dma_wait3A_74 : memref<512x32xbf16, #tpu.memory_space<hbm>>)
      tpu.yield
    }) : () -> ()
    %run_scoped3A_24 = arith.constant 3 : i32
    "tpu.region"() ({
      %run_scoped3A_53 = tpu.sem_alloc : memref<!tpu.dma_semaphore, #tpu.memory_space<semaphore_mem>>
      %dma_start3A_54 = arith.constant 1536 : i32
      %dma_start3A_55 = arith.constant 0 : i32
      %dma_start3A_56 = tpu.memref_slice %arg17[%dma_start3A_54, %dma_start3A_55] : memref<2560x32xbf16, #tpu.memory_space<vmem>> -> memref<512x32xbf16, #tpu.memory_space<vmem>>
      %dma_start3A_57 = arith.constant 0 : i32
      %dma_start3A_58 = tpu.memref_slice %arg9[%run_scoped3A_24, %mul3A_2, %dma_start3A_57] : memref<5x16384x128xbf16, #tpu.memory_space<hbm>> -> memref<1x512x32xbf16, #tpu.memory_space<hbm>>
      %dma_start3A_59 = tpu.memref_squeeze %dma_start3A_58 : memref<1x512x32xbf16, #tpu.memory_space<hbm>> -> memref<512x32xbf16, #tpu.memory_space<hbm>>
      %dma_start3A_60 = arith.constant 0 : i32
      %dma_start3A_61 = tpu.memref_slice %arg9[%run_scoped3A_24, %mul3A_2, %dma_start3A_60] : memref<5x16384x128xbf16, #tpu.memory_space<hbm>> -> memref<1x512x32xbf16, #tpu.memory_space<hbm>>
      %dma_start3A_62 = tpu.memref_squeeze %dma_start3A_61 : memref<1x512x32xbf16, #tpu.memory_space<hbm>> -> memref<512x32xbf16, #tpu.memory_space<hbm>>
      %dma_start3A_63 = arith.constant 1536 : i32
      %dma_start3A_64 = arith.constant 0 : i32
      %dma_start3A_65 = tpu.memref_slice %arg17[%dma_start3A_63, %dma_start3A_64] : memref<2560x32xbf16, #tpu.memory_space<vmem>> -> memref<512x32xbf16, #tpu.memory_space<vmem>>
      tpu.enqueue_dma source(%dma_start3A_65 : memref<512x32xbf16, #tpu.memory_space<vmem>>) target(%dma_start3A_62 : memref<512x32xbf16, #tpu.memory_space<hbm>>) target_semaphore(%run_scoped3A_53 : memref<!tpu.dma_semaphore, #tpu.memory_space<semaphore_mem>>)
      %dma_wait3A_66 = arith.constant 1536 : i32
      %dma_wait3A_67 = arith.constant 0 : i32
      %dma_wait3A_68 = tpu.memref_slice %arg17[%dma_wait3A_66, %dma_wait3A_67] : memref<2560x32xbf16, #tpu.memory_space<vmem>> -> memref<512x32xbf16, #tpu.memory_space<vmem>>
      %dma_wait3A_69 = arith.constant 0 : i32
      %dma_wait3A_70 = tpu.memref_slice %arg9[%run_scoped3A_24, %mul3A_2, %dma_wait3A_69] : memref<5x16384x128xbf16, #tpu.memory_space<hbm>> -> memref<1x512x32xbf16, #tpu.memory_space<hbm>>
      %dma_wait3A_71 = tpu.memref_squeeze %dma_wait3A_70 : memref<1x512x32xbf16, #tpu.memory_space<hbm>> -> memref<512x32xbf16, #tpu.memory_space<hbm>>
      %dma_wait3A_72 = arith.constant 0 : i32
      %dma_wait3A_73 = tpu.memref_slice %arg9[%run_scoped3A_24, %mul3A_2, %dma_wait3A_72] : memref<5x16384x128xbf16, #tpu.memory_space<hbm>> -> memref<1x512x32xbf16, #tpu.memory_space<hbm>>
      %dma_wait3A_74 = tpu.memref_squeeze %dma_wait3A_73 : memref<1x512x32xbf16, #tpu.memory_space<hbm>> -> memref<512x32xbf16, #tpu.memory_space<hbm>>
      %dma_wait3A_75 = arith.constant 1536 : i32
      %dma_wait3A_76 = arith.constant 0 : i32
      %dma_wait3A_77 = tpu.memref_slice %arg17[%dma_wait3A_75, %dma_wait3A_76] : memref<2560x32xbf16, #tpu.memory_space<vmem>> -> memref<512x32xbf16, #tpu.memory_space<vmem>>
      tpu.wait_dma2 semaphore(%run_scoped3A_53 : memref<!tpu.dma_semaphore, #tpu.memory_space<semaphore_mem>>) src(%dma_wait3A_77 : memref<512x32xbf16, #tpu.memory_space<vmem>>) dst(%dma_wait3A_74 : memref<512x32xbf16, #tpu.memory_space<hbm>>)
      tpu.yield
    }) : () -> ()
    %run_scoped3A_25 = arith.constant 4 : i32
    "tpu.region"() ({
      %run_scoped3A_53 = tpu.sem_alloc : memref<!tpu.dma_semaphore, #tpu.memory_space<semaphore_mem>>
      %dma_start3A_54 = arith.constant 2048 : i32
      %dma_start3A_55 = arith.constant 0 : i32
      %dma_start3A_56 = tpu.memref_slice %arg17[%dma_start3A_54, %dma_start3A_55] : memref<2560x32xbf16, #tpu.memory_space<vmem>> -> memref<512x32xbf16, #tpu.memory_space<vmem>>
      %dma_start3A_57 = arith.constant 0 : i32
      %dma_start3A_58 = tpu.memref_slice %arg9[%run_scoped3A_25, %mul3A_2, %dma_start3A_57] : memref<5x16384x128xbf16, #tpu.memory_space<hbm>> -> memref<1x512x32xbf16, #tpu.memory_space<hbm>>
      %dma_start3A_59 = tpu.memref_squeeze %dma_start3A_58 : memref<1x512x32xbf16, #tpu.memory_space<hbm>> -> memref<512x32xbf16, #tpu.memory_space<hbm>>
      %dma_start3A_60 = arith.constant 0 : i32
      %dma_start3A_61 = tpu.memref_slice %arg9[%run_scoped3A_25, %mul3A_2, %dma_start3A_60] : memref<5x16384x128xbf16, #tpu.memory_space<hbm>> -> memref<1x512x32xbf16, #tpu.memory_space<hbm>>
      %dma_start3A_62 = tpu.memref_squeeze %dma_start3A_61 : memref<1x512x32xbf16, #tpu.memory_space<hbm>> -> memref<512x32xbf16, #tpu.memory_space<hbm>>
      %dma_start3A_63 = arith.constant 2048 : i32
      %dma_start3A_64 = arith.constant 0 : i32
      %dma_start3A_65 = tpu.memref_slice %arg17[%dma_start3A_63, %dma_start3A_64] : memref<2560x32xbf16, #tpu.memory_space<vmem>> -> memref<512x32xbf16, #tpu.memory_space<vmem>>
      tpu.enqueue_dma source(%dma_start3A_65 : memref<512x32xbf16, #tpu.memory_space<vmem>>) target(%dma_start3A_62 : memref<512x32xbf16, #tpu.memory_space<hbm>>) target_semaphore(%run_scoped3A_53 : memref<!tpu.dma_semaphore, #tpu.memory_space<semaphore_mem>>)
      %dma_wait3A_66 = arith.constant 2048 : i32
      %dma_wait3A_67 = arith.constant 0 : i32
      %dma_wait3A_68 = tpu.memref_slice %arg17[%dma_wait3A_66, %dma_wait3A_67] : memref<2560x32xbf16, #tpu.memory_space<vmem>> -> memref<512x32xbf16, #tpu.memory_space<vmem>>
      %dma_wait3A_69 = arith.constant 0 : i32
      %dma_wait3A_70 = tpu.memref_slice %arg9[%run_scoped3A_25, %mul3A_2, %dma_wait3A_69] : memref<5x16384x128xbf16, #tpu.memory_space<hbm>> -> memref<1x512x32xbf16, #tpu.memory_space<hbm>>
      %dma_wait3A_71 = tpu.memref_squeeze %dma_wait3A_70 : memref<1x512x32xbf16, #tpu.memory_space<hbm>> -> memref<512x32xbf16, #tpu.memory_space<hbm>>
      %dma_wait3A_72 = arith.constant 0 : i32
      %dma_wait3A_73 = tpu.memref_slice %arg9[%run_scoped3A_25, %mul3A_2, %dma_wait3A_72] : memref<5x16384x128xbf16, #tpu.memory_space<hbm>> -> memref<1x512x32xbf16, #tpu.memory_space<hbm>>
      %dma_wait3A_74 = tpu.memref_squeeze %dma_wait3A_73 : memref<1x512x32xbf16, #tpu.memory_space<hbm>> -> memref<512x32xbf16, #tpu.memory_space<hbm>>
      %dma_wait3A_75 = arith.constant 2048 : i32
      %dma_wait3A_76 = arith.constant 0 : i32
      %dma_wait3A_77 = tpu.memref_slice %arg17[%dma_wait3A_75, %dma_wait3A_76] : memref<2560x32xbf16, #tpu.memory_space<vmem>> -> memref<512x32xbf16, #tpu.memory_space<vmem>>
      tpu.wait_dma2 semaphore(%run_scoped3A_53 : memref<!tpu.dma_semaphore, #tpu.memory_space<semaphore_mem>>) src(%dma_wait3A_77 : memref<512x32xbf16, #tpu.memory_space<vmem>>) dst(%dma_wait3A_74 : memref<512x32xbf16, #tpu.memory_space<hbm>>)
      tpu.yield
    }) : () -> ()
    %scan3A_26 = arith.constant 0 : i32
    %scan3A_27 = arith.constant 0 : i32
    %scan3A_28 = arith.constant 32 : i32
    %scan3A_29 = arith.addi %scan3A_27, %scan3A_28 : i32
    %scan3A_30 = arith.constant 1 : i32
    scf.for %scan3A_53 = %scan3A_27 to %scan3A_29 step %scan3A_30  : i32 {
      %mul3A_54 = arith.constant 16 : i32
      %mul3A_55 = arith.muli %scan3A_53, %mul3A_54 : i32
      %get3A = arith.index_cast %mul3A_55 : i32 to index
      %get3A_56 = tpu.vector_load %arg13[%get3A] {strides = array<i32>} : memref<512xi32, #tpu.memory_space<vmem>>, vector<16xi32>,
      %get3A_57 = vector.shape_cast %get3A_56 : vector<16xi32> to vector<16xi32>
      %mul3A_58 = arith.constant 5 : i32
      %mul3A_59 = vector.broadcast %mul3A_58 : i32 to vector<16xi32>
      %mul3A_60 = arith.muli %get3A_57, %mul3A_59 : vector<16xi32>
      %add3A_61 = arith.constant 0 : i32
      %add3A_62 = vector.broadcast %add3A_61 : i32 to vector<16xi32>
      %add3A_63 = arith.addi %mul3A_60, %add3A_62 : vector<16xi32>
      %mul3A_64 = arith.constant 16 : i32
      %mul3A_65 = arith.muli %scan3A_53, %mul3A_64 : i32
      %add3A_66 = arith.constant 0 : i32
      %add3A_67 = arith.addi %add3A_66, %mul3A_65 : i32
      %swap3A = arith.index_cast %add3A_67 : i32 to index
      %swap3A_68 = tpu.vector_load %arg14[%swap3A] {strides = array<i32>} : memref<2560xi32, #tpu.memory_space<vmem>>, vector<16xi32>,
      %swap3A_69 = vector.shape_cast %swap3A_68 : vector<16xi32> to vector<16xi32>
      %swap3A_70 = vector.shape_cast %add3A_63 : vector<16xi32> to vector<16xi32>
      tpu.vector_store %arg14[%swap3A], %swap3A_70 {strides = array<i32>} : memref<2560xi32, #tpu.memory_space<vmem>>, vector<16xi32>,
      %add3A_71 = arith.constant 1 : i32
      %add3A_72 = vector.broadcast %add3A_71 : i32 to vector<16xi32>
      %add3A_73 = arith.addi %mul3A_60, %add3A_72 : vector<16xi32>
      %mul3A_74 = arith.constant 16 : i32
      %mul3A_75 = arith.muli %scan3A_53, %mul3A_74 : i32
      %add3A_76 = arith.constant 512 : i32
      %add3A_77 = arith.addi %add3A_76, %mul3A_75 : i32
      %swap3A_78 = arith.index_cast %add3A_77 : i32 to index
      %swap3A_79 = tpu.vector_load %arg14[%swap3A_78] {strides = array<i32>} : memref<2560xi32, #tpu.memory_space<vmem>>, vector<16xi32>,
      %swap3A_80 = vector.shape_cast %swap3A_79 : vector<16xi32> to vector<16xi32>
      %swap3A_81 = vector.shape_cast %add3A_73 : vector<16xi32> to vector<16xi32>
      tpu.vector_store %arg14[%swap3A_78], %swap3A_81 {strides = array<i32>} : memref<2560xi32, #tpu.memory_space<vmem>>, vector<16xi32>,
      %add3A_82 = arith.constant 2 : i32
      %add3A_83 = vector.broadcast %add3A_82 : i32 to vector<16xi32>
      %add3A_84 = arith.addi %mul3A_60, %add3A_83 : vector<16xi32>
      %mul3A_85 = arith.constant 16 : i32
      %mul3A_86 = arith.muli %scan3A_53, %mul3A_85 : i32
      %add3A_87 = arith.constant 1024 : i32
      %add3A_88 = arith.addi %add3A_87, %mul3A_86 : i32
      %swap3A_89 = arith.index_cast %add3A_88 : i32 to index
      %swap3A_90 = tpu.vector_load %arg14[%swap3A_89] {strides = array<i32>} : memref<2560xi32, #tpu.memory_space<vmem>>, vector<16xi32>,
      %swap3A_91 = vector.shape_cast %swap3A_90 : vector<16xi32> to vector<16xi32>
      %swap3A_92 = vector.shape_cast %add3A_84 : vector<16xi32> to vector<16xi32>
      tpu.vector_store %arg14[%swap3A_89], %swap3A_92 {strides = array<i32>} : memref<2560xi32, #tpu.memory_space<vmem>>, vector<16xi32>,
      %add3A_93 = arith.constant 3 : i32
      %add3A_94 = vector.broadcast %add3A_93 : i32 to vector<16xi32>
      %add3A_95 = arith.addi %mul3A_60, %add3A_94 : vector<16xi32>
      %mul3A_96 = arith.constant 16 : i32
      %mul3A_97 = arith.muli %scan3A_53, %mul3A_96 : i32
      %add3A_98 = arith.constant 1536 : i32
      %add3A_99 = arith.addi %add3A_98, %mul3A_97 : i32
      %swap3A_100 = arith.index_cast %add3A_99 : i32 to index
      %swap3A_101 = tpu.vector_load %arg14[%swap3A_100] {strides = array<i32>} : memref<2560xi32, #tpu.memory_space<vmem>>, vector<16xi32>,
      %swap3A_102 = vector.shape_cast %swap3A_101 : vector<16xi32> to vector<16xi32>
      %swap3A_103 = vector.shape_cast %add3A_95 : vector<16xi32> to vector<16xi32>
      tpu.vector_store %arg14[%swap3A_100], %swap3A_103 {strides = array<i32>} : memref<2560xi32, #tpu.memory_space<vmem>>, vector<16xi32>,
      %add3A_104 = arith.constant 4 : i32
      %add3A_105 = vector.broadcast %add3A_104 : i32 to vector<16xi32>
      %add3A_106 = arith.addi %mul3A_60, %add3A_105 : vector<16xi32>
      %mul3A_107 = arith.constant 16 : i32
      %mul3A_108 = arith.muli %scan3A_53, %mul3A_107 : i32
      %add3A_109 = arith.constant 2048 : i32
      %add3A_110 = arith.addi %add3A_109, %mul3A_108 : i32
      %swap3A_111 = arith.index_cast %add3A_110 : i32 to index
      %swap3A_112 = tpu.vector_load %arg14[%swap3A_111] {strides = array<i32>} : memref<2560xi32, #tpu.memory_space<vmem>>, vector<16xi32>,
      %swap3A_113 = vector.shape_cast %swap3A_112 : vector<16xi32> to vector<16xi32>
      %swap3A_114 = vector.shape_cast %add3A_106 : vector<16xi32> to vector<16xi32>
      tpu.vector_store %arg14[%swap3A_111], %swap3A_114 {strides = array<i32>} : memref<2560xi32, #tpu.memory_space<vmem>>, vector<16xi32>,
    }
    %scan3A_31 = arith.constant 32 : i32
    %dma_start3A_32 = arith.constant 0 : i32
    %dma_start3A_33 = arith.constant 0 : i32
    %dma_start3A_34 = tpu.memref_slice %arg5[%dma_start3A_32, %dma_start3A_33] : memref<1000001x32xbf16, #tpu.memory_space<hbm>> -> memref<1000001x32xbf16, #tpu.memory_space<hbm>>
    tpu.enqueue_indirect_dma source(%dma_start3A_34 : memref<1000001x32xbf16, #tpu.memory_space<hbm>>) target(%arg16 : memref<512x32xbf16, #tpu.memory_space<vmem>>) offsets(%arg13 : memref<512xi32, #tpu.memory_space<vmem>>) semaphore(%arg18 : memref<!tpu.dma_semaphore, #tpu.memory_space<semaphore_mem>>)
    %dma_wait3A_35 = arith.constant 0 : i32
    %dma_wait3A_36 = arith.constant 0 : i32
    %dma_wait3A_37 = tpu.memref_slice %arg5[%dma_wait3A_35, %dma_wait3A_36] : memref<1000001x32xbf16, #tpu.memory_space<hbm>> -> memref<1000001x32xbf16, #tpu.memory_space<hbm>>
    tpu.wait_indirect_dma semaphore(%arg18 : memref<!tpu.dma_semaphore, #tpu.memory_space<semaphore_mem>>) src(%dma_wait3A_37 : memref<1000001x32xbf16, #tpu.memory_space<hbm>>) dst(%arg16 : memref<512x32xbf16, #tpu.memory_space<vmem>>)
    "tpu.region"() ({
      %run_scoped3A_53 = tpu.sem_alloc : memref<!tpu.dma_semaphore, #tpu.memory_space<semaphore_mem>>
      %dma_start3A_54 = arith.constant 0 : i32
      %dma_start3A_55 = tpu.memref_slice %arg10[%mul3A_2, %dma_start3A_54] : memref<16384x128xbf16, #tpu.memory_space<hbm>> -> memref<512x32xbf16, #tpu.memory_space<hbm>>
      %dma_start3A_56 = arith.constant 0 : i32
      %dma_start3A_57 = tpu.memref_slice %arg10[%mul3A_2, %dma_start3A_56] : memref<16384x128xbf16, #tpu.memory_space<hbm>> -> memref<512x32xbf16, #tpu.memory_space<hbm>>
      tpu.enqueue_dma source(%arg16 : memref<512x32xbf16, #tpu.memory_space<vmem>>) target(%dma_start3A_57 : memref<512x32xbf16, #tpu.memory_space<hbm>>) target_semaphore(%run_scoped3A_53 : memref<!tpu.dma_semaphore, #tpu.memory_space<semaphore_mem>>)
      %dma_wait3A_58 = arith.constant 0 : i32
      %dma_wait3A_59 = tpu.memref_slice %arg10[%mul3A_2, %dma_wait3A_58] : memref<16384x128xbf16, #tpu.memory_space<hbm>> -> memref<512x32xbf16, #tpu.memory_space<hbm>>
      %dma_wait3A_60 = arith.constant 0 : i32
      %dma_wait3A_61 = tpu.memref_slice %arg10[%mul3A_2, %dma_wait3A_60] : memref<16384x128xbf16, #tpu.memory_space<hbm>> -> memref<512x32xbf16, #tpu.memory_space<hbm>>
      tpu.wait_dma2 semaphore(%run_scoped3A_53 : memref<!tpu.dma_semaphore, #tpu.memory_space<semaphore_mem>>) src(%arg16 : memref<512x32xbf16, #tpu.memory_space<vmem>>) dst(%dma_wait3A_61 : memref<512x32xbf16, #tpu.memory_space<hbm>>)
      tpu.yield
    }) : () -> ()
    %dma_start3A_38 = arith.constant 0 : i32
    %dma_start3A_39 = tpu.memref_slice %arg7[%dma_start3A_38] : memref<5000005xi32, #tpu.memory_space<hbm>> -> memref<5000005xi32, #tpu.memory_space<hbm>>
    tpu.enqueue_indirect_dma source(%dma_start3A_39 : memref<5000005xi32, #tpu.memory_space<hbm>>) target(%arg15 : memref<2560xi32, #tpu.memory_space<vmem>>) offsets(%arg14 : memref<2560xi32, #tpu.memory_space<vmem>>) semaphore(%arg18 : memref<!tpu.dma_semaphore, #tpu.memory_space<semaphore_mem>>)
    %dma_wait3A_40 = arith.constant 0 : i32
    %dma_wait3A_41 = tpu.memref_slice %arg7[%dma_wait3A_40] : memref<5000005xi32, #tpu.memory_space<hbm>> -> memref<5000005xi32, #tpu.memory_space<hbm>>
    tpu.wait_indirect_dma semaphore(%arg18 : memref<!tpu.dma_semaphore, #tpu.memory_space<semaphore_mem>>) src(%dma_wait3A_41 : memref<5000005xi32, #tpu.memory_space<hbm>>) dst(%arg15 : memref<2560xi32, #tpu.memory_space<vmem>>)
    %dma_start3A_42 = arith.constant 0 : i32
    %dma_start3A_43 = arith.constant 0 : i32
    %dma_start3A_44 = tpu.memref_slice %arg5[%dma_start3A_42, %dma_start3A_43] : memref<1000001x32xbf16, #tpu.memory_space<hbm>> -> memref<1000001x32xbf16, #tpu.memory_space<hbm>>
    tpu.enqueue_indirect_dma source(%dma_start3A_44 : memref<1000001x32xbf16, #tpu.memory_space<hbm>>) target(%arg17 : memref<2560x32xbf16, #tpu.memory_space<vmem>>) offsets(%arg15 : memref<2560xi32, #tpu.memory_space<vmem>>) semaphore(%arg18 : memref<!tpu.dma_semaphore, #tpu.memory_space<semaphore_mem>>)
    %dma_wait3A_45 = arith.constant 0 : i32
    %dma_wait3A_46 = arith.constant 0 : i32
    %dma_wait3A_47 = tpu.memref_slice %arg5[%dma_wait3A_45, %dma_wait3A_46] : memref<1000001x32xbf16, #tpu.memory_space<hbm>> -> memref<1000001x32xbf16, #tpu.memory_space<hbm>>
    tpu.wait_indirect_dma semaphore(%arg18 : memref<!tpu.dma_semaphore, #tpu.memory_space<semaphore_mem>>) src(%dma_wait3A_47 : memref<1000001x32xbf16, #tpu.memory_space<hbm>>) dst(%arg17 : memref<2560x32xbf16, #tpu.memory_space<vmem>>)
    %run_scoped3A_48 = arith.constant 0 : i32
    "tpu.region"() ({
      %run_scoped3A_53 = tpu.sem_alloc : memref<!tpu.dma_semaphore, #tpu.memory_space<semaphore_mem>>
      %dma_start3A_54 = arith.constant 0 : i32
      %dma_start3A_55 = arith.constant 0 : i32
      %dma_start3A_56 = tpu.memref_slice %arg17[%dma_start3A_54, %dma_start3A_55] : memref<2560x32xbf16, #tpu.memory_space<vmem>> -> memref<512x32xbf16, #tpu.memory_space<vmem>>
      %dma_start3A_57 = arith.constant 0 : i32
      %dma_start3A_58 = tpu.memref_slice %arg11[%run_scoped3A_48, %mul3A_2, %dma_start3A_57] : memref<5x16384x128xbf16, #tpu.memory_space<hbm>> -> memref<1x512x32xbf16, #tpu.memory_space<hbm>>
      %dma_start3A_59 = tpu.memref_squeeze %dma_start3A_58 : memref<1x512x32xbf16, #tpu.memory_space<hbm>> -> memref<512x32xbf16, #tpu.memory_space<hbm>>
      %dma_start3A_60 = arith.constant 0 : i32
      %dma_start3A_61 = tpu.memref_slice %arg11[%run_scoped3A_48, %mul3A_2, %dma_start3A_60] : memref<5x16384x128xbf16, #tpu.memory_space<hbm>> -> memref<1x512x32xbf16, #tpu.memory_space<hbm>>
      %dma_start3A_62 = tpu.memref_squeeze %dma_start3A_61 : memref<1x512x32xbf16, #tpu.memory_space<hbm>> -> memref<512x32xbf16, #tpu.memory_space<hbm>>
      %dma_start3A_63 = arith.constant 0 : i32
      %dma_start3A_64 = arith.constant 0 : i32
      %dma_start3A_65 = tpu.memref_slice %arg17[%dma_start3A_63, %dma_start3A_64] : memref<2560x32xbf16, #tpu.memory_space<vmem>> -> memref<512x32xbf16, #tpu.memory_space<vmem>>
      tpu.enqueue_dma source(%dma_start3A_65 : memref<512x32xbf16, #tpu.memory_space<vmem>>) target(%dma_start3A_62 : memref<512x32xbf16, #tpu.memory_space<hbm>>) target_semaphore(%run_scoped3A_53 : memref<!tpu.dma_semaphore, #tpu.memory_space<semaphore_mem>>)
      %dma_wait3A_66 = arith.constant 0 : i32
      %dma_wait3A_67 = arith.constant 0 : i32
      %dma_wait3A_68 = tpu.memref_slice %arg17[%dma_wait3A_66, %dma_wait3A_67] : memref<2560x32xbf16, #tpu.memory_space<vmem>> -> memref<512x32xbf16, #tpu.memory_space<vmem>>
      %dma_wait3A_69 = arith.constant 0 : i32
      %dma_wait3A_70 = tpu.memref_slice %arg11[%run_scoped3A_48, %mul3A_2, %dma_wait3A_69] : memref<5x16384x128xbf16, #tpu.memory_space<hbm>> -> memref<1x512x32xbf16, #tpu.memory_space<hbm>>
      %dma_wait3A_71 = tpu.memref_squeeze %dma_wait3A_70 : memref<1x512x32xbf16, #tpu.memory_space<hbm>> -> memref<512x32xbf16, #tpu.memory_space<hbm>>
      %dma_wait3A_72 = arith.constant 0 : i32
      %dma_wait3A_73 = tpu.memref_slice %arg11[%run_scoped3A_48, %mul3A_2, %dma_wait3A_72] : memref<5x16384x128xbf16, #tpu.memory_space<hbm>> -> memref<1x512x32xbf16, #tpu.memory_space<hbm>>
      %dma_wait3A_74 = tpu.memref_squeeze %dma_wait3A_73 : memref<1x512x32xbf16, #tpu.memory_space<hbm>> -> memref<512x32xbf16, #tpu.memory_space<hbm>>
      %dma_wait3A_75 = arith.constant 0 : i32
      %dma_wait3A_76 = arith.constant 0 : i32
      %dma_wait3A_77 = tpu.memref_slice %arg17[%dma_wait3A_75, %dma_wait3A_76] : memref<2560x32xbf16, #tpu.memory_space<vmem>> -> memref<512x32xbf16, #tpu.memory_space<vmem>>
      tpu.wait_dma2 semaphore(%run_scoped3A_53 : memref<!tpu.dma_semaphore, #tpu.memory_space<semaphore_mem>>) src(%dma_wait3A_77 : memref<512x32xbf16, #tpu.memory_space<vmem>>) dst(%dma_wait3A_74 : memref<512x32xbf16, #tpu.memory_space<hbm>>)
      tpu.yield
    }) : () -> ()
    %run_scoped3A_49 = arith.constant 1 : i32
    "tpu.region"() ({
      %run_scoped3A_53 = tpu.sem_alloc : memref<!tpu.dma_semaphore, #tpu.memory_space<semaphore_mem>>
      %dma_start3A_54 = arith.constant 512 : i32
      %dma_start3A_55 = arith.constant 0 : i32
      %dma_start3A_56 = tpu.memref_slice %arg17[%dma_start3A_54, %dma_start3A_55] : memref<2560x32xbf16, #tpu.memory_space<vmem>> -> memref<512x32xbf16, #tpu.memory_space<vmem>>
      %dma_start3A_57 = arith.constant 0 : i32
      %dma_start3A_58 = tpu.memref_slice %arg11[%run_scoped3A_49, %mul3A_2, %dma_start3A_57] : memref<5x16384x128xbf16, #tpu.memory_space<hbm>> -> memref<1x512x32xbf16, #tpu.memory_space<hbm>>
      %dma_start3A_59 = tpu.memref_squeeze %dma_start3A_58 : memref<1x512x32xbf16, #tpu.memory_space<hbm>> -> memref<512x32xbf16, #tpu.memory_space<hbm>>
      %dma_start3A_60 = arith.constant 0 : i32
      %dma_start3A_61 = tpu.memref_slice %arg11[%run_scoped3A_49, %mul3A_2, %dma_start3A_60] : memref<5x16384x128xbf16, #tpu.memory_space<hbm>> -> memref<1x512x32xbf16, #tpu.memory_space<hbm>>
      %dma_start3A_62 = tpu.memref_squeeze %dma_start3A_61 : memref<1x512x32xbf16, #tpu.memory_space<hbm>> -> memref<512x32xbf16, #tpu.memory_space<hbm>>
      %dma_start3A_63 = arith.constant 512 : i32
      %dma_start3A_64 = arith.constant 0 : i32
      %dma_start3A_65 = tpu.memref_slice %arg17[%dma_start3A_63, %dma_start3A_64] : memref<2560x32xbf16, #tpu.memory_space<vmem>> -> memref<512x32xbf16, #tpu.memory_space<vmem>>
      tpu.enqueue_dma source(%dma_start3A_65 : memref<512x32xbf16, #tpu.memory_space<vmem>>) target(%dma_start3A_62 : memref<512x32xbf16, #tpu.memory_space<hbm>>) target_semaphore(%run_scoped3A_53 : memref<!tpu.dma_semaphore, #tpu.memory_space<semaphore_mem>>)
      %dma_wait3A_66 = arith.constant 512 : i32
      %dma_wait3A_67 = arith.constant 0 : i32
      %dma_wait3A_68 = tpu.memref_slice %arg17[%dma_wait3A_66, %dma_wait3A_67] : memref<2560x32xbf16, #tpu.memory_space<vmem>> -> memref<512x32xbf16, #tpu.memory_space<vmem>>
      %dma_wait3A_69 = arith.constant 0 : i32
      %dma_wait3A_70 = tpu.memref_slice %arg11[%run_scoped3A_49, %mul3A_2, %dma_wait3A_69] : memref<5x16384x128xbf16, #tpu.memory_space<hbm>> -> memref<1x512x32xbf16, #tpu.memory_space<hbm>>
      %dma_wait3A_71 = tpu.memref_squeeze %dma_wait3A_70 : memref<1x512x32xbf16, #tpu.memory_space<hbm>> -> memref<512x32xbf16, #tpu.memory_space<hbm>>
      %dma_wait3A_72 = arith.constant 0 : i32
      %dma_wait3A_73 = tpu.memref_slice %arg11[%run_scoped3A_49, %mul3A_2, %dma_wait3A_72] : memref<5x16384x128xbf16, #tpu.memory_space<hbm>> -> memref<1x512x32xbf16, #tpu.memory_space<hbm>>
      %dma_wait3A_74 = tpu.memref_squeeze %dma_wait3A_73 : memref<1x512x32xbf16, #tpu.memory_space<hbm>> -> memref<512x32xbf16, #tpu.memory_space<hbm>>
      %dma_wait3A_75 = arith.constant 512 : i32
      %dma_wait3A_76 = arith.constant 0 : i32
      %dma_wait3A_77 = tpu.memref_slice %arg17[%dma_wait3A_75, %dma_wait3A_76] : memref<2560x32xbf16, #tpu.memory_space<vmem>> -> memref<512x32xbf16, #tpu.memory_space<vmem>>
      tpu.wait_dma2 semaphore(%run_scoped3A_53 : memref<!tpu.dma_semaphore, #tpu.memory_space<semaphore_mem>>) src(%dma_wait3A_77 : memref<512x32xbf16, #tpu.memory_space<vmem>>) dst(%dma_wait3A_74 : memref<512x32xbf16, #tpu.memory_space<hbm>>)
      tpu.yield
    }) : () -> ()
    %run_scoped3A_50 = arith.constant 2 : i32
    "tpu.region"() ({
      %run_scoped3A_53 = tpu.sem_alloc : memref<!tpu.dma_semaphore, #tpu.memory_space<semaphore_mem>>
      %dma_start3A_54 = arith.constant 1024 : i32
      %dma_start3A_55 = arith.constant 0 : i32
      %dma_start3A_56 = tpu.memref_slice %arg17[%dma_start3A_54, %dma_start3A_55] : memref<2560x32xbf16, #tpu.memory_space<vmem>> -> memref<512x32xbf16, #tpu.memory_space<vmem>>
      %dma_start3A_57 = arith.constant 0 : i32
      %dma_start3A_58 = tpu.memref_slice %arg11[%run_scoped3A_50, %mul3A_2, %dma_start3A_57] : memref<5x16384x128xbf16, #tpu.memory_space<hbm>> -> memref<1x512x32xbf16, #tpu.memory_space<hbm>>
      %dma_start3A_59 = tpu.memref_squeeze %dma_start3A_58 : memref<1x512x32xbf16, #tpu.memory_space<hbm>> -> memref<512x32xbf16, #tpu.memory_space<hbm>>
      %dma_start3A_60 = arith.constant 0 : i32
      %dma_start3A_61 = tpu.memref_slice %arg11[%run_scoped3A_50, %mul3A_2, %dma_start3A_60] : memref<5x16384x128xbf16, #tpu.memory_space<hbm>> -> memref<1x512x32xbf16, #tpu.memory_space<hbm>>
      %dma_start3A_62 = tpu.memref_squeeze %dma_start3A_61 : memref<1x512x32xbf16, #tpu.memory_space<hbm>> -> memref<512x32xbf16, #tpu.memory_space<hbm>>
      %dma_start3A_63 = arith.constant 1024 : i32
      %dma_start3A_64 = arith.constant 0 : i32
      %dma_start3A_65 = tpu.memref_slice %arg17[%dma_start3A_63, %dma_start3A_64] : memref<2560x32xbf16, #tpu.memory_space<vmem>> -> memref<512x32xbf16, #tpu.memory_space<vmem>>
      tpu.enqueue_dma source(%dma_start3A_65 : memref<512x32xbf16, #tpu.memory_space<vmem>>) target(%dma_start3A_62 : memref<512x32xbf16, #tpu.memory_space<hbm>>) target_semaphore(%run_scoped3A_53 : memref<!tpu.dma_semaphore, #tpu.memory_space<semaphore_mem>>)
      %dma_wait3A_66 = arith.constant 1024 : i32
      %dma_wait3A_67 = arith.constant 0 : i32
      %dma_wait3A_68 = tpu.memref_slice %arg17[%dma_wait3A_66, %dma_wait3A_67] : memref<2560x32xbf16, #tpu.memory_space<vmem>> -> memref<512x32xbf16, #tpu.memory_space<vmem>>
      %dma_wait3A_69 = arith.constant 0 : i32
      %dma_wait3A_70 = tpu.memref_slice %arg11[%run_scoped3A_50, %mul3A_2, %dma_wait3A_69] : memref<5x16384x128xbf16, #tpu.memory_space<hbm>> -> memref<1x512x32xbf16, #tpu.memory_space<hbm>>
      %dma_wait3A_71 = tpu.memref_squeeze %dma_wait3A_70 : memref<1x512x32xbf16, #tpu.memory_space<hbm>> -> memref<512x32xbf16, #tpu.memory_space<hbm>>
      %dma_wait3A_72 = arith.constant 0 : i32
      %dma_wait3A_73 = tpu.memref_slice %arg11[%run_scoped3A_50, %mul3A_2, %dma_wait3A_72] : memref<5x16384x128xbf16, #tpu.memory_space<hbm>> -> memref<1x512x32xbf16, #tpu.memory_space<hbm>>
      %dma_wait3A_74 = tpu.memref_squeeze %dma_wait3A_73 : memref<1x512x32xbf16, #tpu.memory_space<hbm>> -> memref<512x32xbf16, #tpu.memory_space<hbm>>
      %dma_wait3A_75 = arith.constant 1024 : i32
      %dma_wait3A_76 = arith.constant 0 : i32
      %dma_wait3A_77 = tpu.memref_slice %arg17[%dma_wait3A_75, %dma_wait3A_76] : memref<2560x32xbf16, #tpu.memory_space<vmem>> -> memref<512x32xbf16, #tpu.memory_space<vmem>>
      tpu.wait_dma2 semaphore(%run_scoped3A_53 : memref<!tpu.dma_semaphore, #tpu.memory_space<semaphore_mem>>) src(%dma_wait3A_77 : memref<512x32xbf16, #tpu.memory_space<vmem>>) dst(%dma_wait3A_74 : memref<512x32xbf16, #tpu.memory_space<hbm>>)
      tpu.yield
    }) : () -> ()
    %run_scoped3A_51 = arith.constant 3 : i32
    "tpu.region"() ({
      %run_scoped3A_53 = tpu.sem_alloc : memref<!tpu.dma_semaphore, #tpu.memory_space<semaphore_mem>>
      %dma_start3A_54 = arith.constant 1536 : i32
      %dma_start3A_55 = arith.constant 0 : i32
      %dma_start3A_56 = tpu.memref_slice %arg17[%dma_start3A_54, %dma_start3A_55] : memref<2560x32xbf16, #tpu.memory_space<vmem>> -> memref<512x32xbf16, #tpu.memory_space<vmem>>
      %dma_start3A_57 = arith.constant 0 : i32
      %dma_start3A_58 = tpu.memref_slice %arg11[%run_scoped3A_51, %mul3A_2, %dma_start3A_57] : memref<5x16384x128xbf16, #tpu.memory_space<hbm>> -> memref<1x512x32xbf16, #tpu.memory_space<hbm>>
      %dma_start3A_59 = tpu.memref_squeeze %dma_start3A_58 : memref<1x512x32xbf16, #tpu.memory_space<hbm>> -> memref<512x32xbf16, #tpu.memory_space<hbm>>
      %dma_start3A_60 = arith.constant 0 : i32
      %dma_start3A_61 = tpu.memref_slice %arg11[%run_scoped3A_51, %mul3A_2, %dma_start3A_60] : memref<5x16384x128xbf16, #tpu.memory_space<hbm>> -> memref<1x512x32xbf16, #tpu.memory_space<hbm>>
      %dma_start3A_62 = tpu.memref_squeeze %dma_start3A_61 : memref<1x512x32xbf16, #tpu.memory_space<hbm>> -> memref<512x32xbf16, #tpu.memory_space<hbm>>
      %dma_start3A_63 = arith.constant 1536 : i32
      %dma_start3A_64 = arith.constant 0 : i32
      %dma_start3A_65 = tpu.memref_slice %arg17[%dma_start3A_63, %dma_start3A_64] : memref<2560x32xbf16, #tpu.memory_space<vmem>> -> memref<512x32xbf16, #tpu.memory_space<vmem>>
      tpu.enqueue_dma source(%dma_start3A_65 : memref<512x32xbf16, #tpu.memory_space<vmem>>) target(%dma_start3A_62 : memref<512x32xbf16, #tpu.memory_space<hbm>>) target_semaphore(%run_scoped3A_53 : memref<!tpu.dma_semaphore, #tpu.memory_space<semaphore_mem>>)
      %dma_wait3A_66 = arith.constant 1536 : i32
      %dma_wait3A_67 = arith.constant 0 : i32
      %dma_wait3A_68 = tpu.memref_slice %arg17[%dma_wait3A_66, %dma_wait3A_67] : memref<2560x32xbf16, #tpu.memory_space<vmem>> -> memref<512x32xbf16, #tpu.memory_space<vmem>>
      %dma_wait3A_69 = arith.constant 0 : i32
      %dma_wait3A_70 = tpu.memref_slice %arg11[%run_scoped3A_51, %mul3A_2, %dma_wait3A_69] : memref<5x16384x128xbf16, #tpu.memory_space<hbm>> -> memref<1x512x32xbf16, #tpu.memory_space<hbm>>
      %dma_wait3A_71 = tpu.memref_squeeze %dma_wait3A_70 : memref<1x512x32xbf16, #tpu.memory_space<hbm>> -> memref<512x32xbf16, #tpu.memory_space<hbm>>
      %dma_wait3A_72 = arith.constant 0 : i32
      %dma_wait3A_73 = tpu.memref_slice %arg11[%run_scoped3A_51, %mul3A_2, %dma_wait3A_72] : memref<5x16384x128xbf16, #tpu.memory_space<hbm>> -> memref<1x512x32xbf16, #tpu.memory_space<hbm>>
      %dma_wait3A_74 = tpu.memref_squeeze %dma_wait3A_73 : memref<1x512x32xbf16, #tpu.memory_space<hbm>> -> memref<512x32xbf16, #tpu.memory_space<hbm>>
      %dma_wait3A_75 = arith.constant 1536 : i32
      %dma_wait3A_76 = arith.constant 0 : i32
      %dma_wait3A_77 = tpu.memref_slice %arg17[%dma_wait3A_75, %dma_wait3A_76] : memref<2560x32xbf16, #tpu.memory_space<vmem>> -> memref<512x32xbf16, #tpu.memory_space<vmem>>
      tpu.wait_dma2 semaphore(%run_scoped3A_53 : memref<!tpu.dma_semaphore, #tpu.memory_space<semaphore_mem>>) src(%dma_wait3A_77 : memref<512x32xbf16, #tpu.memory_space<vmem>>) dst(%dma_wait3A_74 : memref<512x32xbf16, #tpu.memory_space<hbm>>)
      tpu.yield
    }) : () -> ()
    %run_scoped3A_52 = arith.constant 4 : i32
    "tpu.region"() ({
      %run_scoped3A_53 = tpu.sem_alloc : memref<!tpu.dma_semaphore, #tpu.memory_space<semaphore_mem>>
      %dma_start3A_54 = arith.constant 2048 : i32
      %dma_start3A_55 = arith.constant 0 : i32
      %dma_start3A_56 = tpu.memref_slice %arg17[%dma_start3A_54, %dma_start3A_55] : memref<2560x32xbf16, #tpu.memory_space<vmem>> -> memref<512x32xbf16, #tpu.memory_space<vmem>>
      %dma_start3A_57 = arith.constant 0 : i32
      %dma_start3A_58 = tpu.memref_slice %arg11[%run_scoped3A_52, %mul3A_2, %dma_start3A_57] : memref<5x16384x128xbf16, #tpu.memory_space<hbm>> -> memref<1x512x32xbf16, #tpu.memory_space<hbm>>
      %dma_start3A_59 = tpu.memref_squeeze %dma_start3A_58 : memref<1x512x32xbf16, #tpu.memory_space<hbm>> -> memref<512x32xbf16, #tpu.memory_space<hbm>>
      %dma_start3A_60 = arith.constant 0 : i32
      %dma_start3A_61 = tpu.memref_slice %arg11[%run_scoped3A_52, %mul3A_2, %dma_start3A_60] : memref<5x16384x128xbf16, #tpu.memory_space<hbm>> -> memref<1x512x32xbf16, #tpu.memory_space<hbm>>
      %dma_start3A_62 = tpu.memref_squeeze %dma_start3A_61 : memref<1x512x32xbf16, #tpu.memory_space<hbm>> -> memref<512x32xbf16, #tpu.memory_space<hbm>>
      %dma_start3A_63 = arith.constant 2048 : i32
      %dma_start3A_64 = arith.constant 0 : i32
      %dma_start3A_65 = tpu.memref_slice %arg17[%dma_start3A_63, %dma_start3A_64] : memref<2560x32xbf16, #tpu.memory_space<vmem>> -> memref<512x32xbf16, #tpu.memory_space<vmem>>
      tpu.enqueue_dma source(%dma_start3A_65 : memref<512x32xbf16, #tpu.memory_space<vmem>>) target(%dma_start3A_62 : memref<512x32xbf16, #tpu.memory_space<hbm>>) target_semaphore(%run_scoped3A_53 : memref<!tpu.dma_semaphore, #tpu.memory_space<semaphore_mem>>)
      %dma_wait3A_66 = arith.constant 2048 : i32
      %dma_wait3A_67 = arith.constant 0 : i32
      %dma_wait3A_68 = tpu.memref_slice %arg17[%dma_wait3A_66, %dma_wait3A_67] : memref<2560x32xbf16, #tpu.memory_space<vmem>> -> memref<512x32xbf16, #tpu.memory_space<vmem>>
      %dma_wait3A_69 = arith.constant 0 : i32
      %dma_wait3A_70 = tpu.memref_slice %arg11[%run_scoped3A_52, %mul3A_2, %dma_wait3A_69] : memref<5x16384x128xbf16, #tpu.memory_space<hbm>> -> memref<1x512x32xbf16, #tpu.memory_space<hbm>>
      %dma_wait3A_71 = tpu.memref_squeeze %dma_wait3A_70 : memref<1x512x32xbf16, #tpu.memory_space<hbm>> -> memref<512x32xbf16, #tpu.memory_space<hbm>>
      %dma_wait3A_72 = arith.constant 0 : i32
      %dma_wait3A_73 = tpu.memref_slice %arg11[%run_scoped3A_52, %mul3A_2, %dma_wait3A_72] : memref<5x16384x128xbf16, #tpu.memory_space<hbm>> -> memref<1x512x32xbf16, #tpu.memory_space<hbm>>
      %dma_wait3A_74 = tpu.memref_squeeze %dma_wait3A_73 : memref<1x512x32xbf16, #tpu.memory_space<hbm>> -> memref<512x32xbf16, #tpu.memory_space<hbm>>
      %dma_wait3A_75 = arith.constant 2048 : i32
      %dma_wait3A_76 = arith.constant 0 : i32
      %dma_wait3A_77 = tpu.memref_slice %arg17[%dma_wait3A_75, %dma_wait3A_76] : memref<2560x32xbf16, #tpu.memory_space<vmem>> -> memref<512x32xbf16, #tpu.memory_space<vmem>>
      tpu.wait_dma2 semaphore(%run_scoped3A_53 : memref<!tpu.dma_semaphore, #tpu.memory_space<semaphore_mem>>) src(%dma_wait3A_77 : memref<512x32xbf16, #tpu.memory_space<vmem>>) dst(%dma_wait3A_74 : memref<512x32xbf16, #tpu.memory_space<hbm>>)
      tpu.yield
    }) : () -> ()
    return
  }
}

module attributes {stable_mosaic.version = 14 : i64} {
  func.func @body(%arg0: i32, %arg1: memref<2048x128xbf16, #tpu.memory_space<vmem>>, %arg2: memref<5x2048x128xbf16, #tpu.memory_space<vmem>>, %arg3: memref<2048x128xbf16, #tpu.memory_space<vmem>>, %arg4: memref<5x2048x128xbf16, #tpu.memory_space<vmem>>, %arg5: memref<32x192xf32, #tpu.memory_space<vmem>>, %arg6: memref<160x192xf32, #tpu.memory_space<vmem>>, %arg7: memref<32x192xf32, #tpu.memory_space<vmem>>, %arg8: memref<160x192xf32, #tpu.memory_space<vmem>>, %arg9: memref<1x192xf32, #tpu.memory_space<vmem>>, %arg10: memref<192x96xf32, #tpu.memory_space<vmem>>, %arg11: memref<1x96xf32, #tpu.memory_space<vmem>>, %arg12: memref<96x1xf32, #tpu.memory_space<vmem>>, %arg13: memref<1x1xf32, #tpu.memory_space<vmem>>, %arg14: memref<2048x1xf32, #tpu.memory_space<vmem>>) attributes {dimension_semantics = [#tpu.dimension_semantics<parallel>], iteration_bounds = array<i64: 8>, scalar_prefetch = 0 : i64, scratch_operands = 0 : i64, tpu.core_type = #tpu.core_type<tc>, window_params = [{transform_indices = @transform_0, window_bounds = array<i64: 2048, 128>}, {transform_indices = @transform_1, window_bounds = array<i64: 5, 2048, 128>}, {transform_indices = @transform_2, window_bounds = array<i64: 2048, 128>}, {transform_indices = @transform_3, window_bounds = array<i64: 5, 2048, 128>}, {pipeline_mode = #tpu.pipeline_mode<synchronous>, transform_indices = @transform_4, window_bounds = array<i64: 32, 192>}, {pipeline_mode = #tpu.pipeline_mode<synchronous>, transform_indices = @transform_5, window_bounds = array<i64: 160, 192>}, {pipeline_mode = #tpu.pipeline_mode<synchronous>, transform_indices = @transform_6, window_bounds = array<i64: 32, 192>}, {pipeline_mode = #tpu.pipeline_mode<synchronous>, transform_indices = @transform_7, window_bounds = array<i64: 160, 192>}, {pipeline_mode = #tpu.pipeline_mode<synchronous>, transform_indices = @transform_8, window_bounds = array<i64: 1, 192>}, {pipeline_mode = #tpu.pipeline_mode<synchronous>, transform_indices = @transform_9, window_bounds = array<i64: 192, 96>}, {pipeline_mode = #tpu.pipeline_mode<synchronous>, transform_indices = @transform_10, window_bounds = array<i64: 1, 96>}, {pipeline_mode = #tpu.pipeline_mode<synchronous>, transform_indices = @transform_11, window_bounds = array<i64: 96, 1>}, {pipeline_mode = #tpu.pipeline_mode<synchronous>, transform_indices = @transform_12, window_bounds = array<i64: 1, 1>}, {transform_indices = @transform_13, window_bounds = array<i64: 2048, 1>}]} {
    %get3A = arith.constant 0 : index
    %get3A_0 = arith.constant 0 : index
    %get3A_1 = vector.load %arg1[%get3A, %get3A_0] : memref<2048x128xbf16, #tpu.memory_space<vmem>>, vector<2048x32xbf16>
    %convert_element_type3A = arith.extf %get3A_1 : vector<2048x32xbf16> to vector<2048x32xf32>
    %get3A_2 = arith.constant 0 : index
    %get3A_3 = arith.constant 0 : index
    %get3A_4 = vector.load %arg3[%get3A_2, %get3A_3] : memref<2048x128xbf16, #tpu.memory_space<vmem>>, vector<2048x32xbf16>
    %convert_element_type3A_5 = arith.extf %get3A_4 : vector<2048x32xbf16> to vector<2048x32xf32>
    %get3A_6 = arith.constant 0 : index
    %get3A_7 = arith.constant 0 : index
    %get3A_8 = vector.load %arg5[%get3A_6, %get3A_7] : memref<32x192xf32, #tpu.memory_space<vmem>>, vector<32x192xf32>
    %dot_general3A = arith.constant dense<0.000000e+00> : vector<2048x192xf32>
    %dot_general3A_9 = tpu.matmul %convert_element_type3A, %get3A_8, %dot_general3A {dimension_numbers = #tpu.dot_dimension_numbers<[1], [0], [0], [1], [0, 0, 1, 1], [], []>, transpose_lhs_hint = false} : vector<2048x32xf32>, vector<32x192xf32>, vector<2048x192xf32> -> vector<2048x192xf32>
    %get3A_10 = arith.constant 0 : index
    %get3A_11 = arith.constant 0 : index
    %get3A_12 = vector.load %arg7[%get3A_10, %get3A_11] : memref<32x192xf32, #tpu.memory_space<vmem>>, vector<32x192xf32>
    %dot_general3A_13 = arith.constant dense<0.000000e+00> : vector<2048x192xf32>
    %dot_general3A_14 = tpu.matmul %convert_element_type3A_5, %get3A_12, %dot_general3A_13 {dimension_numbers = #tpu.dot_dimension_numbers<[1], [0], [0], [1], [0, 0, 1, 1], [], []>, transpose_lhs_hint = false} : vector<2048x32xf32>, vector<32x192xf32>, vector<2048x192xf32> -> vector<2048x192xf32>
    %add3A = arith.addf %dot_general3A_9, %dot_general3A_14 : vector<2048x192xf32>
    %get3A_15 = arith.constant 0 : index
    %get3A_16 = arith.constant 0 : index
    %get3A_17 = vector.load %arg6[%get3A_15, %get3A_16] : memref<160x192xf32, #tpu.memory_space<vmem>>, vector<32x192xf32>
    %get3A_18 = arith.constant 0 : index
    %get3A_19 = arith.constant 0 : index
    %get3A_20 = vector.load %arg8[%get3A_18, %get3A_19] : memref<160x192xf32, #tpu.memory_space<vmem>>, vector<32x192xf32>
    %get3A_21 = arith.constant 0 : index
    %get3A_22 = arith.constant 0 : index
    %get3A_23 = arith.constant 0 : index
    %get3A_24 = vector.load %arg2[%get3A_21, %get3A_22, %get3A_23] : memref<5x2048x128xbf16, #tpu.memory_space<vmem>>, vector<1x2048x32xbf16>
    %get3A_25 = vector.shape_cast %get3A_24 : vector<1x2048x32xbf16> to vector<2048x32xbf16>
    %convert_element_type3A_26 = arith.extf %get3A_25 : vector<2048x32xbf16> to vector<2048x32xf32>
    %get3A_27 = arith.constant 0 : index
    %get3A_28 = arith.constant 0 : index
    %get3A_29 = arith.constant 0 : index
    %get3A_30 = vector.load %arg4[%get3A_27, %get3A_28, %get3A_29] : memref<5x2048x128xbf16, #tpu.memory_space<vmem>>, vector<1x2048x32xbf16>
    %get3A_31 = vector.shape_cast %get3A_30 : vector<1x2048x32xbf16> to vector<2048x32xbf16>
    %convert_element_type3A_32 = arith.extf %get3A_31 : vector<2048x32xbf16> to vector<2048x32xf32>
    %dot_general3A_33 = arith.constant dense<0.000000e+00> : vector<2048x192xf32>
    %dot_general3A_34 = tpu.matmul %convert_element_type3A_26, %get3A_17, %dot_general3A_33 {dimension_numbers = #tpu.dot_dimension_numbers<[1], [0], [0], [1], [0, 0, 1, 1], [], []>, transpose_lhs_hint = false} : vector<2048x32xf32>, vector<32x192xf32>, vector<2048x192xf32> -> vector<2048x192xf32>
    %add3A_35 = arith.addf %add3A, %dot_general3A_34 : vector<2048x192xf32>
    %dot_general3A_36 = arith.constant dense<0.000000e+00> : vector<2048x192xf32>
    %dot_general3A_37 = tpu.matmul %convert_element_type3A_32, %get3A_20, %dot_general3A_36 {dimension_numbers = #tpu.dot_dimension_numbers<[1], [0], [0], [1], [0, 0, 1, 1], [], []>, transpose_lhs_hint = false} : vector<2048x32xf32>, vector<32x192xf32>, vector<2048x192xf32> -> vector<2048x192xf32>
    %add3A_38 = arith.addf %add3A_35, %dot_general3A_37 : vector<2048x192xf32>
    %get3A_39 = arith.constant 32 : index
    %get3A_40 = arith.constant 0 : index
    %get3A_41 = vector.load %arg6[%get3A_39, %get3A_40] : memref<160x192xf32, #tpu.memory_space<vmem>>, vector<32x192xf32>
    %get3A_42 = arith.constant 32 : index
    %get3A_43 = arith.constant 0 : index
    %get3A_44 = vector.load %arg8[%get3A_42, %get3A_43] : memref<160x192xf32, #tpu.memory_space<vmem>>, vector<32x192xf32>
    %get3A_45 = arith.constant 1 : index
    %get3A_46 = arith.constant 0 : index
    %get3A_47 = arith.constant 0 : index
    %get3A_48 = vector.load %arg2[%get3A_45, %get3A_46, %get3A_47] : memref<5x2048x128xbf16, #tpu.memory_space<vmem>>, vector<1x2048x32xbf16>
    %get3A_49 = vector.shape_cast %get3A_48 : vector<1x2048x32xbf16> to vector<2048x32xbf16>
    %convert_element_type3A_50 = arith.extf %get3A_49 : vector<2048x32xbf16> to vector<2048x32xf32>
    %get3A_51 = arith.constant 1 : index
    %get3A_52 = arith.constant 0 : index
    %get3A_53 = arith.constant 0 : index
    %get3A_54 = vector.load %arg4[%get3A_51, %get3A_52, %get3A_53] : memref<5x2048x128xbf16, #tpu.memory_space<vmem>>, vector<1x2048x32xbf16>
    %get3A_55 = vector.shape_cast %get3A_54 : vector<1x2048x32xbf16> to vector<2048x32xbf16>
    %convert_element_type3A_56 = arith.extf %get3A_55 : vector<2048x32xbf16> to vector<2048x32xf32>
    %dot_general3A_57 = arith.constant dense<0.000000e+00> : vector<2048x192xf32>
    %dot_general3A_58 = tpu.matmul %convert_element_type3A_50, %get3A_41, %dot_general3A_57 {dimension_numbers = #tpu.dot_dimension_numbers<[1], [0], [0], [1], [0, 0, 1, 1], [], []>, transpose_lhs_hint = false} : vector<2048x32xf32>, vector<32x192xf32>, vector<2048x192xf32> -> vector<2048x192xf32>
    %add3A_59 = arith.addf %add3A_38, %dot_general3A_58 : vector<2048x192xf32>
    %dot_general3A_60 = arith.constant dense<0.000000e+00> : vector<2048x192xf32>
    %dot_general3A_61 = tpu.matmul %convert_element_type3A_56, %get3A_44, %dot_general3A_60 {dimension_numbers = #tpu.dot_dimension_numbers<[1], [0], [0], [1], [0, 0, 1, 1], [], []>, transpose_lhs_hint = false} : vector<2048x32xf32>, vector<32x192xf32>, vector<2048x192xf32> -> vector<2048x192xf32>
    %add3A_62 = arith.addf %add3A_59, %dot_general3A_61 : vector<2048x192xf32>
    %get3A_63 = arith.constant 64 : index
    %get3A_64 = arith.constant 0 : index
    %get3A_65 = vector.load %arg6[%get3A_63, %get3A_64] : memref<160x192xf32, #tpu.memory_space<vmem>>, vector<32x192xf32>
    %get3A_66 = arith.constant 64 : index
    %get3A_67 = arith.constant 0 : index
    %get3A_68 = vector.load %arg8[%get3A_66, %get3A_67] : memref<160x192xf32, #tpu.memory_space<vmem>>, vector<32x192xf32>
    %get3A_69 = arith.constant 2 : index
    %get3A_70 = arith.constant 0 : index
    %get3A_71 = arith.constant 0 : index
    %get3A_72 = vector.load %arg2[%get3A_69, %get3A_70, %get3A_71] : memref<5x2048x128xbf16, #tpu.memory_space<vmem>>, vector<1x2048x32xbf16>
    %get3A_73 = vector.shape_cast %get3A_72 : vector<1x2048x32xbf16> to vector<2048x32xbf16>
    %convert_element_type3A_74 = arith.extf %get3A_73 : vector<2048x32xbf16> to vector<2048x32xf32>
    %get3A_75 = arith.constant 2 : index
    %get3A_76 = arith.constant 0 : index
    %get3A_77 = arith.constant 0 : index
    %get3A_78 = vector.load %arg4[%get3A_75, %get3A_76, %get3A_77] : memref<5x2048x128xbf16, #tpu.memory_space<vmem>>, vector<1x2048x32xbf16>
    %get3A_79 = vector.shape_cast %get3A_78 : vector<1x2048x32xbf16> to vector<2048x32xbf16>
    %convert_element_type3A_80 = arith.extf %get3A_79 : vector<2048x32xbf16> to vector<2048x32xf32>
    %dot_general3A_81 = arith.constant dense<0.000000e+00> : vector<2048x192xf32>
    %dot_general3A_82 = tpu.matmul %convert_element_type3A_74, %get3A_65, %dot_general3A_81 {dimension_numbers = #tpu.dot_dimension_numbers<[1], [0], [0], [1], [0, 0, 1, 1], [], []>, transpose_lhs_hint = false} : vector<2048x32xf32>, vector<32x192xf32>, vector<2048x192xf32> -> vector<2048x192xf32>
    %add3A_83 = arith.addf %add3A_62, %dot_general3A_82 : vector<2048x192xf32>
    %dot_general3A_84 = arith.constant dense<0.000000e+00> : vector<2048x192xf32>
    %dot_general3A_85 = tpu.matmul %convert_element_type3A_80, %get3A_68, %dot_general3A_84 {dimension_numbers = #tpu.dot_dimension_numbers<[1], [0], [0], [1], [0, 0, 1, 1], [], []>, transpose_lhs_hint = false} : vector<2048x32xf32>, vector<32x192xf32>, vector<2048x192xf32> -> vector<2048x192xf32>
    %add3A_86 = arith.addf %add3A_83, %dot_general3A_85 : vector<2048x192xf32>
    %get3A_87 = arith.constant 96 : index
    %get3A_88 = arith.constant 0 : index
    %get3A_89 = vector.load %arg6[%get3A_87, %get3A_88] : memref<160x192xf32, #tpu.memory_space<vmem>>, vector<32x192xf32>
    %get3A_90 = arith.constant 96 : index
    %get3A_91 = arith.constant 0 : index
    %get3A_92 = vector.load %arg8[%get3A_90, %get3A_91] : memref<160x192xf32, #tpu.memory_space<vmem>>, vector<32x192xf32>
    %get3A_93 = arith.constant 3 : index
    %get3A_94 = arith.constant 0 : index
    %get3A_95 = arith.constant 0 : index
    %get3A_96 = vector.load %arg2[%get3A_93, %get3A_94, %get3A_95] : memref<5x2048x128xbf16, #tpu.memory_space<vmem>>, vector<1x2048x32xbf16>
    %get3A_97 = vector.shape_cast %get3A_96 : vector<1x2048x32xbf16> to vector<2048x32xbf16>
    %convert_element_type3A_98 = arith.extf %get3A_97 : vector<2048x32xbf16> to vector<2048x32xf32>
    %get3A_99 = arith.constant 3 : index
    %get3A_100 = arith.constant 0 : index
    %get3A_101 = arith.constant 0 : index
    %get3A_102 = vector.load %arg4[%get3A_99, %get3A_100, %get3A_101] : memref<5x2048x128xbf16, #tpu.memory_space<vmem>>, vector<1x2048x32xbf16>
    %get3A_103 = vector.shape_cast %get3A_102 : vector<1x2048x32xbf16> to vector<2048x32xbf16>
    %convert_element_type3A_104 = arith.extf %get3A_103 : vector<2048x32xbf16> to vector<2048x32xf32>
    %dot_general3A_105 = arith.constant dense<0.000000e+00> : vector<2048x192xf32>
    %dot_general3A_106 = tpu.matmul %convert_element_type3A_98, %get3A_89, %dot_general3A_105 {dimension_numbers = #tpu.dot_dimension_numbers<[1], [0], [0], [1], [0, 0, 1, 1], [], []>, transpose_lhs_hint = false} : vector<2048x32xf32>, vector<32x192xf32>, vector<2048x192xf32> -> vector<2048x192xf32>
    %add3A_107 = arith.addf %add3A_86, %dot_general3A_106 : vector<2048x192xf32>
    %dot_general3A_108 = arith.constant dense<0.000000e+00> : vector<2048x192xf32>
    %dot_general3A_109 = tpu.matmul %convert_element_type3A_104, %get3A_92, %dot_general3A_108 {dimension_numbers = #tpu.dot_dimension_numbers<[1], [0], [0], [1], [0, 0, 1, 1], [], []>, transpose_lhs_hint = false} : vector<2048x32xf32>, vector<32x192xf32>, vector<2048x192xf32> -> vector<2048x192xf32>
    %add3A_110 = arith.addf %add3A_107, %dot_general3A_109 : vector<2048x192xf32>
    %get3A_111 = arith.constant 128 : index
    %get3A_112 = arith.constant 0 : index
    %get3A_113 = vector.load %arg6[%get3A_111, %get3A_112] : memref<160x192xf32, #tpu.memory_space<vmem>>, vector<32x192xf32>
    %get3A_114 = arith.constant 128 : index
    %get3A_115 = arith.constant 0 : index
    %get3A_116 = vector.load %arg8[%get3A_114, %get3A_115] : memref<160x192xf32, #tpu.memory_space<vmem>>, vector<32x192xf32>
    %get3A_117 = arith.constant 4 : index
    %get3A_118 = arith.constant 0 : index
    %get3A_119 = arith.constant 0 : index
    %get3A_120 = vector.load %arg2[%get3A_117, %get3A_118, %get3A_119] : memref<5x2048x128xbf16, #tpu.memory_space<vmem>>, vector<1x2048x32xbf16>
    %get3A_121 = vector.shape_cast %get3A_120 : vector<1x2048x32xbf16> to vector<2048x32xbf16>
    %convert_element_type3A_122 = arith.extf %get3A_121 : vector<2048x32xbf16> to vector<2048x32xf32>
    %get3A_123 = arith.constant 4 : index
    %get3A_124 = arith.constant 0 : index
    %get3A_125 = arith.constant 0 : index
    %get3A_126 = vector.load %arg4[%get3A_123, %get3A_124, %get3A_125] : memref<5x2048x128xbf16, #tpu.memory_space<vmem>>, vector<1x2048x32xbf16>
    %get3A_127 = vector.shape_cast %get3A_126 : vector<1x2048x32xbf16> to vector<2048x32xbf16>
    %convert_element_type3A_128 = arith.extf %get3A_127 : vector<2048x32xbf16> to vector<2048x32xf32>
    %dot_general3A_129 = arith.constant dense<0.000000e+00> : vector<2048x192xf32>
    %dot_general3A_130 = tpu.matmul %convert_element_type3A_122, %get3A_113, %dot_general3A_129 {dimension_numbers = #tpu.dot_dimension_numbers<[1], [0], [0], [1], [0, 0, 1, 1], [], []>, transpose_lhs_hint = false} : vector<2048x32xf32>, vector<32x192xf32>, vector<2048x192xf32> -> vector<2048x192xf32>
    %add3A_131 = arith.addf %add3A_110, %dot_general3A_130 : vector<2048x192xf32>
    %dot_general3A_132 = arith.constant dense<0.000000e+00> : vector<2048x192xf32>
    %dot_general3A_133 = tpu.matmul %convert_element_type3A_128, %get3A_116, %dot_general3A_132 {dimension_numbers = #tpu.dot_dimension_numbers<[1], [0], [0], [1], [0, 0, 1, 1], [], []>, transpose_lhs_hint = false} : vector<2048x32xf32>, vector<32x192xf32>, vector<2048x192xf32> -> vector<2048x192xf32>
    %add3A_134 = arith.addf %add3A_131, %dot_general3A_133 : vector<2048x192xf32>
    %get3A_135 = arith.constant 0 : index
    %get3A_136 = arith.constant 0 : index
    %get3A_137 = vector.load %arg9[%get3A_135, %get3A_136] : memref<1x192xf32, #tpu.memory_space<vmem>>, vector<1x192xf32>
    %add3A_138 = vector.broadcast %get3A_137 : vector<1x192xf32> to vector<2048x192xf32>
    %add3A_139 = arith.addf %add3A_134, %add3A_138 : vector<2048x192xf32>
    %max3A = arith.constant 0.000000e+00 : f32
    %max3A_140 = vector.broadcast %max3A : f32 to vector<2048x192xf32>
    %max3A_141 = arith.maximumf %add3A_139, %max3A_140 : vector<2048x192xf32>
    %get3A_142 = arith.constant 0 : index
    %get3A_143 = arith.constant 0 : index
    %get3A_144 = vector.load %arg10[%get3A_142, %get3A_143] : memref<192x96xf32, #tpu.memory_space<vmem>>, vector<192x96xf32>
    %dot_general3A_145 = arith.constant dense<0.000000e+00> : vector<2048x96xf32>
    %dot_general3A_146 = tpu.matmul %max3A_141, %get3A_144, %dot_general3A_145 {dimension_numbers = #tpu.dot_dimension_numbers<[1], [0], [0], [1], [0, 0, 1, 1], [], []>, transpose_lhs_hint = false} : vector<2048x192xf32>, vector<192x96xf32>, vector<2048x96xf32> -> vector<2048x96xf32>
    %get3A_147 = arith.constant 0 : index
    %get3A_148 = arith.constant 0 : index
    %get3A_149 = vector.load %arg11[%get3A_147, %get3A_148] : memref<1x96xf32, #tpu.memory_space<vmem>>, vector<1x96xf32>
    %add3A_150 = vector.broadcast %get3A_149 : vector<1x96xf32> to vector<2048x96xf32>
    %add3A_151 = arith.addf %dot_general3A_146, %add3A_150 : vector<2048x96xf32>
    %max3A_152 = arith.constant 0.000000e+00 : f32
    %max3A_153 = vector.broadcast %max3A_152 : f32 to vector<2048x96xf32>
    %max3A_154 = arith.maximumf %add3A_151, %max3A_153 : vector<2048x96xf32>
    %get3A_155 = arith.constant 0 : index
    %get3A_156 = arith.constant 0 : index
    %get3A_157 = vector.load %arg12[%get3A_155, %get3A_156] : memref<96x1xf32, #tpu.memory_space<vmem>>, vector<96x1xf32>
    %dot_general3A_158 = arith.constant dense<0.000000e+00> : vector<2048x1xf32>
    %dot_general3A_159 = tpu.matmul %max3A_154, %get3A_157, %dot_general3A_158 {dimension_numbers = #tpu.dot_dimension_numbers<[1], [0], [0], [1], [0, 0, 1, 1], [], []>, transpose_lhs_hint = false} : vector<2048x96xf32>, vector<96x1xf32>, vector<2048x1xf32> -> vector<2048x1xf32>
    %get3A_160 = arith.constant 0 : index
    %get3A_161 = arith.constant 0 : index
    %get3A_162 = vector.load %arg13[%get3A_160, %get3A_161] : memref<1x1xf32, #tpu.memory_space<vmem>>, vector<1x1xf32>
    %get3A_163 = vector.extract %get3A_162[0, 0] : f32 from vector<1x1xf32>
    %add3A_164 = vector.broadcast %get3A_163 : f32 to vector<2048x1xf32>
    %add3A_165 = arith.addf %dot_general3A_159, %add3A_164 : vector<2048x1xf32>
    %swap3A = arith.constant 0 : index
    %swap3A_166 = arith.constant 0 : index
    %swap3A_167 = vector.load %arg14[%swap3A, %swap3A_166] : memref<2048x1xf32, #tpu.memory_space<vmem>>, vector<2048x1xf32>
    tpu.vector_store %arg14[%swap3A, %swap3A_166], %add3A_165 {strides = array<i32>} : memref<2048x1xf32, #tpu.memory_space<vmem>>, vector<2048x1xf32>,
    return
  }
  func.func @transform_0(%arg0: i32) -> (i32, i32) {
    %c0_i32 = arith.constant 0 : i32
    %c0_i32_0 = arith.constant 0 : i32
    return %arg0, %c0_i32 : i32, i32
  }
  func.func @transform_1(%arg0: i32) -> (i32, i32, i32) {
    %c0_i32 = arith.constant 0 : i32
    %c0_i32_0 = arith.constant 0 : i32
    %c0_i32_1 = arith.constant 0 : i32
    return %c0_i32, %arg0, %c0_i32_0 : i32, i32, i32
  }
  func.func @transform_2(%arg0: i32) -> (i32, i32) {
    %c0_i32 = arith.constant 0 : i32
    %c0_i32_0 = arith.constant 0 : i32
    return %arg0, %c0_i32 : i32, i32
  }
  func.func @transform_3(%arg0: i32) -> (i32, i32, i32) {
    %c0_i32 = arith.constant 0 : i32
    %c0_i32_0 = arith.constant 0 : i32
    %c0_i32_1 = arith.constant 0 : i32
    return %c0_i32, %arg0, %c0_i32_0 : i32, i32, i32
  }
  func.func @transform_4(%arg0: i32) -> (i32, i32) {
    %c0_i32 = arith.constant 0 : i32
    %c0_i32_0 = arith.constant 0 : i32
    %c0_i32_1 = arith.constant 0 : i32
    return %c0_i32, %c0_i32_0 : i32, i32
  }
  func.func @transform_5(%arg0: i32) -> (i32, i32) {
    %c0_i32 = arith.constant 0 : i32
    %c0_i32_0 = arith.constant 0 : i32
    %c0_i32_1 = arith.constant 0 : i32
    return %c0_i32, %c0_i32_0 : i32, i32
  }
  func.func @transform_6(%arg0: i32) -> (i32, i32) {
    %c0_i32 = arith.constant 0 : i32
    %c0_i32_0 = arith.constant 0 : i32
    %c0_i32_1 = arith.constant 0 : i32
    return %c0_i32, %c0_i32_0 : i32, i32
  }
  func.func @transform_7(%arg0: i32) -> (i32, i32) {
    %c0_i32 = arith.constant 0 : i32
    %c0_i32_0 = arith.constant 0 : i32
    %c0_i32_1 = arith.constant 0 : i32
    return %c0_i32, %c0_i32_0 : i32, i32
  }
  func.func @transform_8(%arg0: i32) -> (i32, i32) {
    %c0_i32 = arith.constant 0 : i32
    %c0_i32_0 = arith.constant 0 : i32
    %c0_i32_1 = arith.constant 0 : i32
    return %c0_i32, %c0_i32_0 : i32, i32
  }
  func.func @transform_9(%arg0: i32) -> (i32, i32) {
    %c0_i32 = arith.constant 0 : i32
    %c0_i32_0 = arith.constant 0 : i32
    %c0_i32_1 = arith.constant 0 : i32
    return %c0_i32, %c0_i32_0 : i32, i32
  }
  func.func @transform_10(%arg0: i32) -> (i32, i32) {
    %c0_i32 = arith.constant 0 : i32
    %c0_i32_0 = arith.constant 0 : i32
    %c0_i32_1 = arith.constant 0 : i32
    return %c0_i32, %c0_i32_0 : i32, i32
  }
  func.func @transform_11(%arg0: i32) -> (i32, i32) {
    %c0_i32 = arith.constant 0 : i32
    %c0_i32_0 = arith.constant 0 : i32
    %c0_i32_1 = arith.constant 0 : i32
    return %c0_i32, %c0_i32_0 : i32, i32
  }
  func.func @transform_12(%arg0: i32) -> (i32, i32) {
    %c0_i32 = arith.constant 0 : i32
    %c0_i32_0 = arith.constant 0 : i32
    %c0_i32_1 = arith.constant 0 : i32
    return %c0_i32, %c0_i32_0 : i32, i32
  }
  func.func @transform_13(%arg0: i32) -> (i32, i32) {
    %c0_i32 = arith.constant 0 : i32
    %c0_i32_0 = arith.constant 0 : i32
    return %arg0, %c0_i32 : i32, i32
  }
}

</mosaic_0001>

<sc_bundles>
// kernel: kernel.4.cloned.1.call-start
scs
__scs_entry_jumppad:
0x0: {  	(pc) =	sbr.rel $0x88, $3  }
0x1: {  	(tag) =	ssettag $0x0;
	lr =	simm.s32 $0x1  }
0x2: {  	[smem:$0x3F95] =	sst lr;
	_ =	strace $0xD0000000  }
0x3: {  	_ = 	snop  }
0x4: {  	_ = 	snop  }
0x5: {  	_ = 	snop  }
0x6: {  	_ = 	snop  }
0x7: {  	_ = 	snop  }
__scs_overlays_trampoline_lowered:
0x8: {  	[smem:$0x3FA4] =	sst s0  }
0x9: {  	[smem:$0x3FA5] =	sst s1  }
0xa: {  	[smem:$0x3FA6] =	sst s2  }
0xb: {  	[smem:$0x3FA7] =	sst s3  }
0xc: {  	[smem:$0x3FA8] =	sst s4  }
0xd: {  	[smem:$0x3FA9] =	sst s5  }
0xe: {  	[smem:$0x3FAA] =	sst s6  }
0xf: {  	[smem:$0x3FAB] =	sst s7  }
0x10: {  	[smem:$0x3FAC] =	sst s8  }
0x11: {  	[smem:$0x3FAD] =	sst s9;
	s0 =	simm.s32 @!p0 $0x0  }
0x12: {  	s1 =	sld [smem:$0x3F93];
	s0 =	simm.s32 @p0 $0x1  }
0x13: {  	[smem:$0x3FAE] =	sst s0;
	s0 =	simm.s32 @!p1 $0x0  }
0x14: {  	s2 =	sld [smem:$0x3F92];
	s0 =	simm.s32 @p1 $0x1  }
0x15: {  	[smem:$0x3FAF] =	sst s0;
	s0 =	simm.s32 @!p2 $0x0  }
0x16: {  	s3 =	sld [smem:$0x3FDB];
	s0 =	simm.s32 @p2 $0x1  }
0x17: {  	s4 =	simm.s32 $0x1BF5;
	[smem:$0x3FB1] =	sst s0  }
0x18: {  	s0 =	sld [smem:$0x3F94];
	_ =	swait.ge [sflag:s4], $0x0  }
0x19: {  	s7 =	sld [smem:$0x3F95]  }
0x1a: {  	s8 =	sadd.s32 $0xFFFFE003, lr  }
0x1b: {  	s9 =	sadd.s32 $0xFFFFFEF7, lr;
	s5 =	simm.s32 $0xFFFFFFFF;
	p2 =	slt.u32 s8, $0xFFFFF086  }
0x1c: {  	p1 =	slt.u32 s9, $0xF7A;
	s5 =	simm.s32 @!p2 $0x0  }
0x1d: {  	s5 =	simm.s32 @p1 $0x1;
	p0 =	seq.s32 s7, s2  }
0x1e: {  	s7 =	smul.u32 @!p0 $0xF7A, s2;
	p2 =	seq.s32 @!p0 s5, $0x0  }
0x1f: {  	s9 =	smul.u32 $0xF7A, s1;
	s8 =	simm.s32 @!p0 $0x1BF5;
	p2 =	por !p2, p0  }
0x20: {  	[sflag:s8] =	ssyncset.s32 @!p0 $0xFFFFF086;
	s6 =	sadd.s32 @!p0 s3, s7;
	s7 =	simm.s32 @!p0 $0x108  }
0x21: {  	s3 =	sadd.s32 s3, s9;
	s6 =	sadd.s32 @!p0 $0x88, s6;
	s7 =	simm.s32 @p2 $0x1082  }
0x22: {  	[simem:s7], [sflag:s8] =	dma.local @!p0 [hbm:s6], $0xF7A  }
0x23: {  	s9 =	sor.u32 $0xD0000000, s2;
	s6 =	simm.s32 $0x108;
	_ =	swait.ge @!p0 [sflag:s8], $0x0  }
0x24: {  	s3 =	sadd.s32 $0x88, s3;
	s6 =	simm.s32 @!p1 $0x1082;
	[sflag:s4] =	ssyncset.s32 $0xFFFFF086  }
0x25: {  	[simem:s6], [sflag:s4] =	dma.local [hbm:s3], $0xF7A  }
0x26: {  	[smem:$0x3F95] =	sst s1;
	(tag) =	ssettag s2;
	_ =	strace s9  }
0x27: {  	s1 =	sld [smem:$0x3FA5]  }
0x28: {  	s2 =	sld [smem:$0x3FA6]  }
0x29: {  	s4 =	sld [smem:$0x3FA8]  }
0x2a: {  	p0 =	seq.s32 s5, $0x0;
	s5 =	sld [smem:$0x3FA9]  }
0x2b: {  	s6 =	sld [smem:$0x3FAA]  }
0x2c: {  	s7 =	sld [smem:$0x3FAB]  }
0x2d: {  	s3 =	simm.s32 $0x108;
	s8 =	sld [smem:$0x3FAC]  }
0x2e: {  	s3 =	simm.s32 @!p0 $0x1082;
	s9 =	sld [smem:$0x3FAD]  }
0x2f: {  	lr =	sadd.s32 s0, s3;
	s0 =	sld [smem:$0x3FA4]  }
0x30: {  	s3 =	sld [smem:$0x3FA7]  }
0x31: {  	[smem:$0x3FB0] =	sst s10  }
0x32: {  	s10 =	sld [smem:$0x3FAE];
	_ =	sdelay $0x3  }
0x33: {  	p0 =	seq.s32 s10, $0x1;
	s10 =	sld [smem:$0x3FB0];
	_ =	sdelay $0x3  }
0x34: {  	[smem:$0x3FB0] =	sst s10  }
0x35: {  	s10 =	sld [smem:$0x3FAF];
	_ =	sdelay $0x3  }
0x36: {  	p1 =	seq.s32 s10, $0x1;
	s10 =	sld [smem:$0x3FB0];
	_ =	sdelay $0x3  }
0x37: {  	[smem:$0x3FB0] =	sst s10  }
0x38: {  	s10 =	sld [smem:$0x3FB1]  }
0x39: {  	_ = 	snop;
	(pc) =	sbr.ind lr, $3  }
0x3a: {  	_ = 	snop  }
0x3b: {  	_ = 	snop  }
0x3c: {  	p2 =	seq.s32 s10, $0x1;
	s10 =	sld [smem:$0x3FB0]  }
0x3d: {  	_ =	shalt  }
0x3e: {  	_ =	shalt  }
0x3f: {  	_ =	shalt  }
0x40: {  	_ =	shalt  }
0x41: {  	_ =	shalt  }
0x42: {  	_ =	shalt  }
0x43: {  	_ =	shalt  }
0x44: {  	_ =	shalt  }
0x45: {  	_ =	shalt  }
0x46: {  	_ =	shalt  }
0x47: {  	_ =	shalt  }
0x48: {  	_ =	shalt  }
0x49: {  	_ =	shalt  }
0x4a: {  	_ =	shalt  }
0x4b: {  	_ =	shalt  }
0x4c: {  	_ =	shalt  }
0x4d: {  	_ =	shalt  }
0x4e: {  	_ =	shalt  }
0x4f: {  	_ =	shalt  }
0x50: {  	_ =	shalt  }
0x51: {  	_ =	shalt  }
0x52: {  	_ =	shalt  }
0x53: {  	_ =	shalt  }
0x54: {  	_ =	shalt  }
0x55: {  	_ =	shalt  }
0x56: {  	_ =	shalt  }
0x57: {  	_ =	shalt  }
0x58: {  	_ =	shalt  }
0x59: {  	_ =	shalt  }
0x5a: {  	_ =	shalt  }
0x5b: {  	_ =	shalt  }
0x5c: {  	_ =	shalt  }
0x5d: {  	_ =	shalt  }
0x5e: {  	_ =	shalt  }
0x5f: {  	_ =	shalt  }
0x60: {  	_ =	shalt  }
0x61: {  	_ =	shalt  }
0x62: {  	_ =	shalt  }
0x63: {  	_ =	shalt  }
0x64: {  	_ =	shalt  }
0x65: {  	_ =	shalt  }
0x66: {  	_ =	shalt  }
0x67: {  	_ =	shalt  }
0x68: {  	_ =	shalt  }
0x69: {  	_ =	shalt  }
0x6a: {  	_ =	shalt  }
0x6b: {  	_ =	shalt  }
0x6c: {  	_ =	shalt  }
0x6d: {  	_ =	shalt  }
0x6e: {  	_ =	shalt  }
0x6f: {  	_ =	shalt  }
0x70: {  	_ =	shalt  }
0x71: {  	_ =	shalt  }
0x72: {  	_ =	shalt  }
0x73: {  	_ =	shalt  }
0x74: {  	_ =	shalt  }
0x75: {  	_ =	shalt  }
0x76: {  	_ =	shalt  }
0x77: {  	_ =	shalt  }
0x78: {  	_ =	shalt  }
0x79: {  	_ =	shalt  }
0x7a: {  	_ =	shalt  }
0x7b: {  	_ =	shalt  }
0x7c: {  	_ =	shalt  }
0x7d: {  	_ =	shalt  }
0x7e: {  	_ =	shalt  }
0x7f: {  	_ =	shalt  }
0x80: {  	_ =	shalt  }
0x81: {  	_ =	shalt  }
0x82: {  	_ =	shalt  }
0x83: {  	_ =	shalt  }
0x84: {  	_ =	shalt  }
0x85: {  	_ =	shalt  }
0x86: {  	_ =	shalt  }
0x87: {  	_ =	shalt  }
.Lfunc_end0:
.L_simem_size_0:
called_computation.2_lowered:
.L_overlay_start_0:
0x88: {  	s2 =	sld [smem:$0x3FD9]  }
0x89: {  	s3 =	sld [smem:$0x3FFE];
	_ =	sdelay $0x1  }
0x8a: {  	s1 =	srdreg.scid  }
0x8b: {  	s0 =	sand.u32 $0x1, s1  }
0x8c: {  	s17 =	sshll.u32 s0, $0xA;
	s2 =	sadd.s32 s3, s2  }
0x8d: {  	s2 =	sadd.s32 s2, s17  }
0x8e: {  	[smem:$0x3FBC] =	sst s2  }
0x8f: {  	_ = 	snop  }
0x90: {  	s2 =	sld [smem:$0x3FC9]  }
0x91: {  	s18 =	sld [smem:$0x3FC8];
	(tm) =	ssettm $0x1  }
0x92: {  	s4 =	sld [smem:$0x3FFB];
	_ =	sdelay $0x3  }
0x93: {  	_ =	strace s4  }
0x94: {  	s4 =	sld [smem:$0x3FFC];
	_ =	sdelay $0x3  }
0x95: {  	_ =	strace s4  }
0x96: {  	s4 =	sld [smem:$0x3FFD];
	_ =	sdelay $0x3  }
0x97: {  	_ =	strace s4  }
0x98: {  	_ =	strace $0x8FFFFFFF  }
0x99: {  	s19 =	sld [smem:$0x3FDB];
	_ =	sdelay $0x1  }
0x9a: {  	s5 =	simm.s32 $_scs_section_size  }
0x9b: {  	s6 =	simm.s32 $_size__tile_overlayer_lowered;
	s7 =	simm.s32 $_tile_overlayer_lowered  }
0x9c: {  	s22 =	simm.s32 $0x1BFF;
	s21 =	sshll.u32 s7, $0x1;
	s4 =	sadd.s32 s5, s19  }
0x9d: {  	s8 =	simm.s32 $0x0;
	s20 =	sshll.u32 s6, $0x1;
	s6 =	sadd.s32 s21, s4  }
0x9e: {  	[timem:s8], [sflag:s22] =	dma.local [hbm:s6], s20  }
0x9f: {  	_ =	swait.ge [sflag:s22], s20  }
0xa0: {  	s5 =	ssub.s32 $0x0, s20;
	[sflag:s22] =	ssyncset.done $0x0  }
0xa1: {  	[sflag:s22] =	ssyncadd.s32 s5;
	_ =	sdelay $0x1  }
0xa2: {  	s23 =	simm.s32 $0x1B8B  }
0xa3: {  	_ =	swait.ge [sflag:s23], $0x1  }
0xa4: {  	[sflag:s23] =	ssyncset.done $0x0  }
0xa5: {  	s25 =	simm.s32 $0x1B8E;
	s24 =	sld [smem:$0x3FFE];
	[sflag:s23] =	ssyncadd.s32 $0xFFFFFFFF  }
0xa6: {  	s26 =	simm.s32 $execute0_lowered;
	[smem:$0x3FD2] =	sst s25  }
0xa7: {  	s6 =	sshll.u32 s26, $0x1;
	_ =	strace $0x8000004C;
	[dreg:$0x1] =	wrdreg $0xFFFFFFFF  }
0xa8: {  	s28 =	simm.s32 $_size_execute0_lowered;
	s4 =	sadd.s32 s4, s6;
	[dreg:$0x0] =	wrdreg $0x0  }
0xa9: {  	s6 =	sshll.u32 s28, $0x1;
	[dreg:$0x2] =	wrdreg s4  }
0xaa: {  	[dreg:$0x3] =	wrdreg s6  }
0xab: {  	[dreg:$0x4] =	wrdreg $0xC0  }
0xac: {  	_ =	task [dreg:s8], $0x5FFFF  }
0xad: {  	[dreg:$0x1] =	wrdreg $0xFFFFFFFF  }
0xae: {  	[dreg:$0x0] =	wrdreg $0x60  }
0xaf: {  	[dreg:$0x2] =	wrdreg s2  }
0xb0: {  	[dreg:$0x3] =	wrdreg s18  }
0xb1: {  	[dreg:$0x4] =	wrdreg s24  }
0xb2: {  	[dreg:$0x5] =	wrdreg $0x9  }
0xb3: {  	_ =	task.clear_ibuf [dreg:s8], $0x6FFFF;
	_ =	strace $0x9000004C  }
0xb4: {  	s29 =	simm.s32 $0x9;
	_ =	strace $0x8000004E  }
0xb5: {  	_ =	swait.ge [sflag:s29], $0x1  }
0xb6: {  	[sflag:s29] =	ssyncadd.s32 $0xFFFFFFFF  }
0xb7: {  	_ =	strace $0x9000004E  }
0xb8: {  	_ =	sfence  }
0xb9: {  	s30 =	sld [smem:$0x0];
	_ =	sdelay $0x2  }
0xba: {  	s31 =	sshll.u32 s1, $0xD;
	s1 =	sshrl.u32 s1, $0x2  }
0xbb: {  	s3 =	sand.u32 $0x4000, s31;
	s1 =	sadd.s32 s1, s30  }
0xbc: {  	s0 =	sor.u32 s3, s0;
	s1 =	sshll.u32 s1, $0x11  }
0xbd: {  	s0 =	sor.u32 s1, s0  }
0xbe: {  	s0 =	sadd.s32 $0x8F2B, s0  }
0xbf: {  	[sflag:s0] =	ssyncadd.remote.s32 $0x1  }
0xc0: {  	_ =	sfence.sel $0xFFFF  }
0xc1: {  	[dreg:$0x0] =	wrdreg $0xFFFFFFFF;
	(pc) =	sbr.abs _section_cstart, $3  }
0xc2: {  	[dreg:$0x1] =	wrdreg $0xFFFFFFFF  }
0xc3: {  	_ =	task.clear_ibuf [dreg:s8], $0x2FFFF;
	_ =	strace $0x9FFFFFFF  }
0xc4: {  	(tm) =	ssettm $0x7FFFFFFF  }
0xc5: {  	_ =	shalt  }
tec
execute0_lowered:
.L_overlay_start_1:
0x0: {  	(tag) =	ssettag $0x1  }
0x1: {  	s0 =	rddreg [dreg:$0x0]  }
0x2: {  	s1 =	rddreg [dreg:$0x1]  }
0x3: {  	s2 =	rddreg [dreg:$0x2];
	s3 =	simm.s32 $0x0;
	s4 =	srdreg.scid  }
0x4: {  	s6 =	stileid.u32;
	s28 =	simm.s32 $0x40;
	s29 =	simm.s32 $0xA00  }
0x5: {  	s31 =	simm.s32 $0xE00;
	[smem:$0x7FF] =	sst s3;
	s3 =	sadd.s32 $0x2000, s2  }
0x6: {  	s5 =	sand.u32 $0x1, s4;
	s4 =	sadd.s32 $0x5BB200, s2;
	s6 =	sshll.u32 s6, $0xA  }
0x7: {  	s30 =	simm.s32 $0x400;
	s8 =	sadd.s32 $0x22F0400, s2;
	s16 =	sadd.s32 $0x2257A00, s2  }
0x8: {  	s17 =	sadd.s32 $0x1EA600, s2;
	_ =	strace $0x8000004D;
	[dreg:$0x4] =	wrdreg s8  }
0x9: {  	s7 =	sshll.u32 s5, $0x9;
	[dreg:$0x5] =	wrdreg s16;
	s5 =	ssub.s32 $0x2, s5  }
0xa: {  	s6 =	sor.u32 s7, s6;
	s10 =	sshrl.u32 s5, $0x1;
	s7 =	simm.s32 $0x0  }
0xb: {  	s18 =	sshll.u32 s6, $0x3;
	s6 =	sshrl.u32 s6, $0x3;
	s5 =	ssub.s32 s5, s10  }
0xc: {  	s9 =	sadd.s32 s18, s2;
	s2 =	sadd.s32 $0x28A600, s2;
	s0 =	sadd.s32 s0, s6  }
0xd: {  	s19 =	sadd.s32 s1, s6;
	s21 =	sor.u32 $0x20000, s18;
	s22 =	sadd.s32 s17, s18  }
0xe: {  	s24 =	sor.u32 $0x40000, s18;
	s25 =	sor.u32 $0x60000, s18;
	[dreg:$0x6] =	wrdreg s0  }
0xf: {  	s26 =	sor.u32 $0x80000, s18;
	s1 =	simm.s32 $0x7800;
	[dreg:$0x7] =	wrdreg s19  }
0x10: {  	s6 =	simm.s32 $0xB800;
	s20 =	sadd.s32 $0x32A600, s9;
	[dreg:$0x9] =	wrdreg s22  }
0x11: {  	s23 =	sadd.s32 s17, s21;
	s12 =	sadd.s32 s17, s24;
	s13 =	sadd.s32 s17, s25  }
0x12: {  	s14 =	sadd.s32 s17, s26;
	s15 =	sadd.s32 $0x34A600, s9;
	s16 =	sadd.s32 s2, s18  }
0x13: {  	s17 =	sadd.s32 s2, s21;
	s18 =	sadd.s32 s2, s24;
	s19 =	sadd.s32 s2, s25  }
0x14: {  	s21 =	smax.u32 s5, $0x1;
	s22 =	simm.s32 $0x2;
	s24 =	simm.s32 $0x1800  }
0x15: {  	s25 =	simm.s32 $0x1;
	s0 =	simm.s32 $0x3800;
	[dreg:$0x8] =	wrdreg s20  }
0x16: {  	s5 =	simm.s32 $0x9800;
	[dreg:$0xa] =	wrdreg s23;
	s20 =	sadd.s32 s2, s26  }
0x17: {  	s23 =	simm.s32 $0x200;
	s26 =	simm.s32 $0x10;
	s2 =	simm.s32 $0x5800  }
.LBB2_1:
0x18: {  	s8 =	simm.s32 $0x0;
	s9 =	rddreg [dreg:$0x6]  }
0x19: {  	[tilespmem:s8], [sflag:$0x2] =	stream.linear.gather [hbm4b:s9+s8], $0x200, $0x38;
	[tilespmem:$0xD800] =	vst v63  }
0x1a: {  	_ =	swait.ge [sflag:s22], $0x200  }
0x1b: {  	[sflag:s22] =	ssyncset.done $0x0  }
0x1c: {  	s11 =	rddreg [dreg:$0x7];
	[sflag:s22] =	ssyncadd.s32 $0xFFFFFE00  }
0x1d: {  	[tilespmem:s23], [sflag:$0x2] =	stream.linear.gather [hbm4b:s11+s8], $0x200, $0x38;
	[tilespmem:$0xD800] =	vst v63  }
0x1e: {  	_ =	swait.ge [sflag:s22], $0x200  }
0x1f: {  	[sflag:s22] =	ssyncset.done $0x0  }
0x20: {  	s9 =	simm.s32 $0x0;
	[sflag:s22] =	ssyncadd.s32 $0xFFFFFE00  }
0x21: {  	v0 =	vld [tilespmem:s9+$0x0];
	_ =	sdelay $0x4  }
0x22: {  	s8 =	simm.s32 $0x10;
	v1 =	vmul.u32 $0x5, v0  }
0x23: {  	v0 =	vld [tilespmem:s8+$0x0]  }
0x24: {  	[tilespmem:s9+$0x400] =	vst v1;
	v2 =	vadd.s32 $0x4, v1  }
0x25: {  	v3 =	vadd.s32 $0x1, v1;
	[tilespmem:s9+$0xC00] =	vst v2  }
0x26: {  	v2 =	vadd.s32 $0x2, v1;
	[tilespmem:s9+$0x600] =	vst v3  }
0x27: {  	s10 =	simm.s32 $0x80;
	v1 =	vadd.s32 $0x3, v1;
	[tilespmem:s9+$0x800] =	vst v2  }
.LBB2_2:
0x28: {  	s11 =	sshra.s32 s10, $0x2;
	p0 =	sne.s32 s10, $0x7C0;
	s10 =	sadd.s32 $0x40, s10;
	v2 =	vmul.u32 $0x5, v0;
	[tilespmem:s9+$0xA00] =	vst v1  }
.Ltmp0:
0x29: {  	s9 =	smov.u32 s8;
	v0 =	vld [tilespmem:s11+$0x0];
	s8 =	smov.u32 s11;
	(pc) =	sbr.rel @p0 .LBB2_2-.Ltmp0, $4  }
0x2a: {  	[tilespmem:s9+$0x400] =	vst v2;
	v3 =	vadd.s32 $0x1, v2;
	v4 =	vadd.s32 $0x2, v2;
	v5 =	vadd.s32 $0x4, v2  }
0x2b: {  	v1 =	vadd.s32 $0x3, v2;
	[tilespmem:s9+$0xC00] =	vst v5  }
0x2c: {  	[tilespmem:s9+$0x600] =	vst v3  }
0x2d: {  	[tilespmem:s9+$0x800] =	vst v4  }
0x2e: {  	v0 =	vmul.u32 $0x5, v0  }
0x2f: {  	[tilespmem:s9+$0xA00] =	vst v1  }
0x30: {  	[tilespmem:s8+$0x400] =	vst v0;
	v1 =	vadd.s32 $0x4, v0  }
0x31: {  	v2 =	vadd.s32 $0x1, v0;
	[tilespmem:s8+$0xC00] =	vst v1  }
0x32: {  	v1 =	vadd.s32 $0x2, v0;
	[tilespmem:s8+$0x600] =	vst v2  }
0x33: {  	v0 =	vadd.s32 $0x3, v0;
	[tilespmem:s8+$0x800] =	vst v1  }
0x34: {  	s10 =	simm.s32 $0x0;
	[tilespmem:s8+$0xA00] =	vst v0  }
0x35: {  	[tilespmem:s24], [sflag:$0x1] =	stream.indirect.gather [hbm4b:s3+s23], $0x10, s10, s23, $0xb8;
	[tilespmem:$0xD800] =	vst v63  }
0x36: {  	_ =	swait.ge [sflag:s25], $0x2000  }
0x37: {  	[sflag:s25] =	ssyncset.done $0x0  }
0x38: {  	s11 =	rddreg [dreg:$0x8];
	[sflag:s25] =	ssyncadd.s32 $0xFFFFE000  }
0x39: {  	[hbm4b:s11+s26] =	stream.strided.scatter [tilespmem:s24], [sflag:$0x2], $0x2000, s28, s26, $0x38;
	[tilespmem:$0xD800] =	vst v63  }
0x3a: {  	_ =	swait.ge [sflag:s22], $0x2000  }
0x3b: {  	[sflag:s22] =	ssyncset.done $0x0  }
0x3c: {  	s9 =	rddreg [dreg:$0x4];
	[sflag:s22] =	ssyncadd.s32 $0xFFFFE000  }
0x3d: {  	[tilespmem:s31], [sflag:$0x1] =	stream.indirect.gather [hbm4b:s9+s29], $0x1, s30, s29, $0xb8;
	[tilespmem:$0xD800] =	vst v63  }
0x3e: {  	_ =	swait.ge [sflag:s25], $0xA00  }
0x3f: {  	[sflag:s25] =	ssyncset.done $0x0  }
0x40: {  	[sflag:s25] =	ssyncadd.s32 $0xFFFFF600  }
0x41: {  	[tilespmem:s0], [sflag:$0x1] =	stream.indirect.gather [hbm4b:s3+s29], $0x10, s31, s29, $0xb8;
	[tilespmem:$0xD800] =	vst v63  }
0x42: {  	_ =	swait.ge [sflag:s25], $0xA000  }
0x43: {  	[sflag:s25] =	ssyncset.done $0x0  }
0x44: {  	s10 =	rddreg [dreg:$0x9];
	[sflag:s25] =	ssyncadd.s32 $0xFFFF6000  }
0x45: {  	[hbm4b:s10+s26] =	stream.strided.scatter [tilespmem:s0], [sflag:$0x2], $0x2000, s28, s26, $0x38;
	[tilespmem:$0xD800] =	vst v63  }
0x46: {  	_ =	swait.ge [sflag:s22], $0x2000  }
0x47: {  	[sflag:s22] =	ssyncset.done $0x0  }
0x48: {  	s11 =	rddreg [dreg:$0xa];
	[sflag:s22] =	ssyncadd.s32 $0xFFFFE000  }
0x49: {  	[hbm4b:s11+s26] =	stream.strided.scatter [tilespmem:s2], [sflag:$0x2], $0x2000, s28, s26, $0x38;
	[tilespmem:$0xD800] =	vst v63  }
0x4a: {  	_ =	swait.ge [sflag:s22], $0x2000  }
0x4b: {  	[sflag:s22] =	ssyncset.done $0x0  }
0x4c: {  	[sflag:s22] =	ssyncadd.s32 $0xFFFFE000  }
0x4d: {  	[hbm4b:s12+s26] =	stream.strided.scatter [tilespmem:s1], [sflag:$0x2], $0x2000, s28, s26, $0x38;
	[tilespmem:$0xD800] =	vst v63  }
0x4e: {  	_ =	swait.ge [sflag:s22], $0x2000  }
0x4f: {  	[sflag:s22] =	ssyncset.done $0x0  }
0x50: {  	[sflag:s22] =	ssyncadd.s32 $0xFFFFE000  }
0x51: {  	[hbm4b:s13+s26] =	stream.strided.scatter [tilespmem:s5], [sflag:$0x2], $0x2000, s28, s26, $0x38;
	[tilespmem:$0xD800] =	vst v63  }
0x52: {  	_ =	swait.ge [sflag:s22], $0x2000  }
0x53: {  	[sflag:s22] =	ssyncset.done $0x0  }
0x54: {  	[sflag:s22] =	ssyncadd.s32 $0xFFFFE000  }
0x55: {  	[hbm4b:s14+s26] =	stream.strided.scatter [tilespmem:s6], [sflag:$0x2], $0x2000, s28, s26, $0x38;
	[tilespmem:$0xD800] =	vst v63  }
0x56: {  	_ =	swait.ge [sflag:s22], $0x2000  }
0x57: {  	[sflag:s22] =	ssyncset.done $0x0  }
0x58: {  	s9 =	simm.s32 $0x0;
	[sflag:s22] =	ssyncadd.s32 $0xFFFFE000  }
0x59: {  	v0 =	vld [tilespmem:s9+$0x200];
	_ =	sdelay $0x4  }
0x5a: {  	s8 =	simm.s32 $0x10;
	v1 =	vmul.u32 $0x5, v0  }
0x5b: {  	v0 =	vld [tilespmem:s8+$0x200]  }
0x5c: {  	[tilespmem:s9+$0x400] =	vst v1;
	v2 =	vadd.s32 $0x4, v1  }
0x5d: {  	v3 =	vadd.s32 $0x1, v1;
	[tilespmem:s9+$0xC00] =	vst v2  }
0x5e: {  	v2 =	vadd.s32 $0x2, v1;
	[tilespmem:s9+$0x600] =	vst v3  }
0x5f: {  	s10 =	simm.s32 $0x80;
	v1 =	vadd.s32 $0x3, v1;
	[tilespmem:s9+$0x800] =	vst v2  }
.LBB2_4:
0x60: {  	s11 =	sshra.s32 s10, $0x2;
	p0 =	sne.s32 s10, $0x7C0;
	s10 =	sadd.s32 $0x40, s10;
	v2 =	vmul.u32 $0x5, v0;
	[tilespmem:s9+$0xA00] =	vst v1  }
.Ltmp1:
0x61: {  	s9 =	smov.u32 s8;
	v0 =	vld [tilespmem:s11+$0x200];
	s8 =	smov.u32 s11;
	(pc) =	sbr.rel @p0 .LBB2_4-.Ltmp1, $4  }
0x62: {  	[tilespmem:s9+$0x400] =	vst v2;
	v3 =	vadd.s32 $0x1, v2;
	v4 =	vadd.s32 $0x2, v2;
	v5 =	vadd.s32 $0x4, v2  }
0x63: {  	v1 =	vadd.s32 $0x3, v2;
	[tilespmem:s9+$0xC00] =	vst v5  }
0x64: {  	[tilespmem:s9+$0x600] =	vst v3  }
0x65: {  	[tilespmem:s9+$0x800] =	vst v4  }
0x66: {  	v0 =	vmul.u32 $0x5, v0  }
0x67: {  	[tilespmem:s9+$0xA00] =	vst v1  }
0x68: {  	[tilespmem:s8+$0x400] =	vst v0;
	v62 =	vadd.s32 $0x4, v0  }
0x69: {  	v2 =	vadd.s32 $0x1, v0;
	[tilespmem:s8+$0xC00] =	vst v62  }
0x6a: {  	v63 =	vadd.s32 $0x2, v0;
	[tilespmem:s8+$0x600] =	vst v2  }
0x6b: {  	v0 =	vadd.s32 $0x3, v0;
	[tilespmem:s8+$0x800] =	vst v63  }
0x6c: {  	[tilespmem:s8+$0xA00] =	vst v0  }
0x6d: {  	[tilespmem:s24], [sflag:$0x1] =	stream.indirect.gather [hbm4b:s4+s23], $0x10, s23, s23, $0xb8;
	[tilespmem:$0xD800] =	vst v63  }
0x6e: {  	_ =	swait.ge [sflag:s25], $0x2000  }
0x6f: {  	[sflag:s25] =	ssyncset.done $0x0  }
0x70: {  	[sflag:s25] =	ssyncadd.s32 $0xFFFFE000  }
0x71: {  	[hbm4b:s15+s26] =	stream.strided.scatter [tilespmem:s24], [sflag:$0x2], $0x2000, s28, s26, $0x38;
	[tilespmem:$0xD800] =	vst v63  }
0x72: {  	_ =	swait.ge [sflag:s22], $0x2000  }
0x73: {  	[sflag:s22] =	ssyncset.done $0x0  }
0x74: {  	s11 =	rddreg [dreg:$0x5];
	[sflag:s22] =	ssyncadd.s32 $0xFFFFE000  }
0x75: {  	[tilespmem:s31], [sflag:$0x1] =	stream.indirect.gather [hbm4b:s11+s29], $0x1, s30, s29, $0xb8;
	[tilespmem:$0xD800] =	vst v63  }
0x76: {  	_ =	swait.ge [sflag:s25], $0xA00  }
0x77: {  	[sflag:s25] =	ssyncset.done $0x0  }
0x78: {  	[sflag:s25] =	ssyncadd.s32 $0xFFFFF600  }
0x79: {  	[tilespmem:s0], [sflag:$0x1] =	stream.indirect.gather [hbm4b:s4+s29], $0x10, s31, s29, $0xb8;
	[tilespmem:$0xD800] =	vst v63  }
0x7a: {  	_ =	swait.ge [sflag:s25], $0xA000  }
0x7b: {  	[sflag:s25] =	ssyncset.done $0x0  }
0x7c: {  	[sflag:s25] =	ssyncadd.s32 $0xFFFF6000  }
0x7d: {  	[hbm4b:s16+s26] =	stream.strided.scatter [tilespmem:s0], [sflag:$0x2], $0x2000, s28, s26, $0x38;
	[tilespmem:$0xD800] =	vst v63  }
0x7e: {  	_ =	swait.ge [sflag:s22], $0x2000  }
0x7f: {  	[sflag:s22] =	ssyncset.done $0x0  }
0x80: {  	[sflag:s22] =	ssyncadd.s32 $0xFFFFE000  }
0x81: {  	[hbm4b:s17+s26] =	stream.strided.scatter [tilespmem:s2], [sflag:$0x2], $0x2000, s28, s26, $0x38;
	[tilespmem:$0xD800] =	vst v63  }
0x82: {  	_ =	swait.ge [sflag:s22], $0x2000  }
0x83: {  	[sflag:s22] =	ssyncset.done $0x0  }
0x84: {  	[sflag:s22] =	ssyncadd.s32 $0xFFFFE000  }
0x85: {  	[hbm4b:s18+s26] =	stream.strided.scatter [tilespmem:s1], [sflag:$0x2], $0x2000, s28, s26, $0x38;
	[tilespmem:$0xD800] =	vst v63  }
0x86: {  	_ =	swait.ge [sflag:s22], $0x2000  }
0x87: {  	[sflag:s22] =	ssyncset.done $0x0  }
0x88: {  	[sflag:s22] =	ssyncadd.s32 $0xFFFFE000  }
0x89: {  	[hbm4b:s19+s26] =	stream.strided.scatter [tilespmem:s5], [sflag:$0x2], $0x2000, s28, s26, $0x38;
	[tilespmem:$0xD800] =	vst v63  }
0x8a: {  	s7 =	sadd.s32 $0x1, s7;
	_ =	swait.ge [sflag:s22], $0x2000  }
0x8b: {  	p0 =	sne.s32 s7, s21;
	[sflag:s22] =	ssyncset.done $0x0  }
.Ltmp2:
0x8c: {  	[sflag:s22] =	ssyncadd.s32 $0xFFFFE000;
	(pc) =	sbr.rel @p0 .LBB2_1-.Ltmp2, $4  }
0x8d: {  	[hbm4b:s20+s26] =	stream.strided.scatter [tilespmem:s6], [sflag:$0x2], $0x2000, s28, s26, $0x38;
	[tilespmem:$0xD800] =	vst v63  }
0x8e: {  	_ =	swait.ge [sflag:s22], $0x2000  }
0x8f: {  	[sflag:s22] =	ssyncset.done $0x0  }
0x90: {  	[sflag:s22] =	ssyncadd.s32 $0xFFFFE000  }
0x91: {  	_ =	sfence.sel $0x180000  }
0x92: {  	[bflag:$0x0] =	sbarrier.arrive $0xFFFF  }
0x93: {  	_ =	strace $0x9000004D  }
0x94: {  	s0 =	stileid.u32;
	[bflag:$0x2] =	sbarrier.arrive $0xFFFF  }
0x95: {  	p0 =	sne.s32 s0, $0x0;
	s0 =	rddreg [dreg:$0x3]  }
0x96: {  	s0 =	sadd.s32 @!p0 $0x100000, s0  }
0x97: {  	[sflag:s0] =	ssyncadd.tile.s32 @!p0 $0x1;
	_ =	shalt  }
.Lfunc_end2:
_tile_overlayer_lowered:
.L_overlay_start_2:
0x98: {  	(tag) =	ssettag $0x2  }
0x99: {  	s0 =	rddreg [dreg:$0x0];
	s2 =	stileid.u32  }
0x9a: {  	s1 =	rddreg [dreg:$0x1];
	p0 =	sne.s32 s2, $0x0  }
0x9b: {  	s3 =	rddreg [dreg:$0x2];
	[bflag:$0x3] =	sbarrier.arrive $0xFFFF;
	s2 =	simm.s32 @!p0 $0x1C02  }
0x9c: {  	[timem:s3], [sflag:s2] =	dma.local @!p0 [hbm:s0], s1  }
0x9d: {  	s0 =	simm.s32 @!p0 $0x2  }
0x9e: {  	_ =	swait.ge @!p0 [sflag:s0], s1  }
0x9f: {  	s1 =	ssub.s32 @!p0 $0x0, s1;
	[sflag:s0] =	ssyncset.done @!p0 $0x0  }
0xa0: {  	[sflag:s0] =	ssyncadd.s32 @!p0 s1  }
0xa1: {  	[bflag:$0x3] =	sbarrier.arrive $0xFFFF  }
0xa2: {  	_ =	shalt  }

// kernel: sparse-core-data-format-call.1.cloned.1.call-start
scs
called_computation.1_lowered:
.L_overlay_start_0:
0x0: {  	s2 =	sld [smem:$0x3FD9]  }
0x1: {  	s3 =	sld [smem:$0x3FFE];
	_ =	sdelay $0x1  }
0x2: {  	s1 =	srdreg.scid  }
0x3: {  	s0 =	sand.u32 $0x1, s1  }
0x4: {  	s18 =	sshll.u32 s0, $0xA;
	s2 =	sadd.s32 s3, s2  }
0x5: {  	s2 =	sadd.s32 s2, s18  }
0x6: {  	[smem:$0x3FBC] =	sst s2  }
0x7: {  	_ = 	snop  }
0x8: {  	(tm) =	ssettm $0x1  }
0x9: {  	s19 =	sld [smem:$0x3FFB];
	_ =	sdelay $0x3  }
0xa: {  	_ =	strace s19  }
0xb: {  	s2 =	sld [smem:$0x3FFC];
	_ =	sdelay $0x3  }
0xc: {  	_ =	strace s2  }
0xd: {  	s2 =	sld [smem:$0x3FFD];
	_ =	sdelay $0x3  }
0xe: {  	_ =	strace s2  }
0xf: {  	_ =	strace $0x8FFFFFFF  }
0x10: {  	s20 =	sld [smem:$0x3FDB];
	_ =	sdelay $0x1  }
0x11: {  	s21 =	simm.s32 $_scs_section_size  }
0x12: {  	s4 =	simm.s32 $_size__tile_overlayer_lowered;
	s5 =	simm.s32 $_tile_overlayer_lowered  }
0x13: {  	s6 =	simm.s32 $0x1BFF;
	s22 =	sshll.u32 s5, $0x1;
	s3 =	sadd.s32 s21, s20  }
0x14: {  	s23 =	simm.s32 $0x0;
	s4 =	sshll.u32 s4, $0x1;
	s5 =	sadd.s32 s22, s3  }
0x15: {  	[timem:s23], [sflag:s6] =	dma.local [hbm:s5], s4  }
0x16: {  	_ =	swait.ge [sflag:s6], s4  }
0x17: {  	s4 =	ssub.s32 $0x0, s4;
	[sflag:s6] =	ssyncset.done $0x0  }
0x18: {  	[sflag:s6] =	ssyncadd.s32 s4;
	_ =	sdelay $0x1  }
0x19: {  	s24 =	simm.s32 $0x1B8B  }
0x1a: {  	_ =	swait.ge [sflag:s24], $0x1  }
0x1b: {  	[sflag:s24] =	ssyncset.done $0x0  }
0x1c: {  	[sflag:s24] =	ssyncadd.s32 $0xFFFFFFFF  }
0x1d: {  	s4 =	sld [smem:$0x0]  }
0x1e: {  	s5 =	sand.u32 $0xFFFFFFFE, s1  }
0x1f: {  	p0 =	sne.s32 s1, s5  }
0x20: {  	s5 =	sshll.u32 @p0 s5, $0xE  }
0x21: {  	s5 =	sadd.s32 @p0 $0x11B8D, s5;
	s6 =	sshll.u32 @p0 s4, $0x11  }
0x22: {  	s5 =	sor.u32 @p0 s6, s5  }
0x23: {  	[sflag:s5] =	ssyncadd.remote.s32 @p0 $0x1;
	_ =	sdelay $0x1  }
0x24: {  	s5 =	simm.s32 @p0 $0x1B8D  }
0x25: {  	_ =	swait.eq @p0 [sflag:s5], $0x1  }
0x26: {  	[sflag:s5] =	ssyncadd.s32 @p0 $0xFFFFFFFF  }
0x27: {  	s6 =	sshll.u32 @!p0 s1, $0xE  }
0x28: {  	s6 =	sor.u32 @!p0 $0x4000, s6;
	s5 =	simm.s32 @!p0 $0x1B8D  }
0x29: {  	s4 =	sshll.u32 @!p0 s4, $0x11;
	s6 =	sadd.s32 @!p0 $0x11B8D, s6;
	_ =	swait.eq @!p0 [sflag:s5], $0x1  }
0x2a: {  	s4 =	sor.u32 @!p0 s4, s6;
	[sflag:s5] =	ssyncadd.s32 @!p0 $0xFFFFFFFF  }
0x2b: {  	s26 =	simm.s32 $0x1B8E;
	s25 =	sld [smem:$0x3FFE];
	[sflag:s4] =	ssyncadd.remote.s32 @!p0 $0x1  }
0x2c: {  	s27 =	simm.s32 $execute0_lowered;
	[smem:$0x3FD2] =	sst s26  }
0x2d: {  	s5 =	sshll.u32 s27, $0x1;
	_ =	strace $0x80000049;
	[dreg:$0x1] =	wrdreg $0xFFFFFFFF  }
0x2e: {  	s28 =	simm.s32 $_size_execute0_lowered;
	s3 =	sadd.s32 s3, s5;
	[dreg:$0x0] =	wrdreg $0x0  }
0x2f: {  	s5 =	sshll.u32 s28, $0x1;
	[dreg:$0x2] =	wrdreg s3  }
0x30: {  	[dreg:$0x3] =	wrdreg s5  }
0x31: {  	[dreg:$0x4] =	wrdreg $0xC0  }
0x32: {  	_ =	task [dreg:s23], $0x5FFFF  }
0x33: {  	[dreg:$0x1] =	wrdreg $0xFFFFFFFF  }
0x34: {  	[dreg:$0x0] =	wrdreg $0x60  }
0x35: {  	[dreg:$0x2] =	wrdreg s25  }
0x36: {  	[dreg:$0x3] =	wrdreg $0xA  }
0x37: {  	_ =	task.clear_ibuf [dreg:s23], $0x4FFFF;
	_ =	strace $0x90000049  }
0x38: {  	s29 =	simm.s32 $0xA;
	_ =	strace $0x8000004B  }
0x39: {  	_ =	swait.ge [sflag:s29], $0x1  }
0x3a: {  	[sflag:s29] =	ssyncadd.s32 $0xFFFFFFFF  }
0x3b: {  	_ =	strace $0x9000004B  }
0x3c: {  	_ =	sfence  }
0x3d: {  	s30 =	sld [smem:$0x0];
	_ =	sdelay $0x2  }
0x3e: {  	s31 =	sshll.u32 s1, $0xD;
	s1 =	sshrl.u32 s1, $0x2  }
0x3f: {  	s4 =	sand.u32 $0x4000, s31;
	s1 =	sadd.s32 s1, s30  }
0x40: {  	s0 =	sor.u32 s4, s0;
	s1 =	sshll.u32 s1, $0x11  }
0x41: {  	s0 =	sor.u32 s1, s0  }
0x42: {  	s0 =	sadd.s32 $0x8F2B, s0  }
0x43: {  	[sflag:s0] =	ssyncadd.remote.s32 $0x1  }
0x44: {  	_ =	sfence.sel $0xFFFF  }
0x45: {  	[dreg:$0x0] =	wrdreg $0xFFFFFFFF;
	(pc) =	sbr.abs _section_cstart, $3  }
0x46: {  	[dreg:$0x1] =	wrdreg $0xFFFFFFFF  }
0x47: {  	_ =	task.clear_ibuf [dreg:s23], $0x2FFFF;
	_ =	strace $0x9FFFFFFF  }
0x48: {  	(tm) =	ssettm $0x7FFFFFFF  }
0x49: {  	_ =	shalt  }
tec
execute0_lowered:
.L_overlay_start_1:
0x0: {  	(tag) =	ssettag $0x1  }
0x1: {  	s0 =	srdreg.scid  }
0x2: {  	s5 =	rddreg [dreg:$0x0];
	s1 =	stileid.u32;
	s4 =	simm.s32 $0x1  }
0x3: {  	s6 =	simm.s32 $0x2;
	s15 =	simm.s32 $0x0;
	p0 =	por $0x0, $0x0  }
0x4: {  	s8 =	simm.s32 $0x80;
	s14 =	simm.s32 $0x0;
	s2 =	sshll.u32 s0, $0x4  }
0x5: {  	s9 =	simm.s32 $0x0;
	s10 =	simm.s32 $0x0;
	s2 =	sand.u32 $0x10, s2  }
.Ltmp0:
0x6: {  	s12 =	simm.s32 $0x0;
	s3 =	sor.u32 s1, s2;
	(pc) =	sbr.rel .LBB1_1-.Ltmp0, $4  }
0x7: {  	s0 =	rddreg [dreg:$0x1];
	_ =	strace $0x8000004A;
	s3 =	sshll.u32 s3, $0x7  }
0x8: {  	s13 =	simm.s32 $0x0;
	[sflag:s4] =	ssyncpa.u1 $0x0;
	s7 =	ssub.s32 $0xF4200, s3  }
0x9: {  	s2 =	sadd.s32 $0x98BA00, s5;
	[sflag:s6] =	ssyncpa.u1 $0x0;
	s6 =	sshrl.u32 s7, $0xC  }
0xa: {  	s5 =	sadd.s32 $0xB74000, s5;
	s11 =	smov.u32 s3;
	s7 =	sadd.s32 $0x2, s6  }
.LBB1_5:
0xb: {  	p1 =	slt.u32 s13, $0x2  }
0xc: {  	s17 =	smov.u32 s15;
	p2 =	sgt.s32 @!p1 s15, $0xF41C8;
	s16 =	sshra.s32 @!p1 s15, $0x1F  }
0xd: {  	p3 =	sgt.s32 @!p1 s14, $0x60;
	s18 =	sshra.s32 @!p1 s14, $0x1F;
	p2 =	por !p2, p1  }
0xe: {  	s15 =	sand.u32 @!p1 s16, s15;
	p3 =	por !p3, p1;
	s16 =	smov.u32 s14  }
0xf: {  	s14 =	sand.u32 @!p1 s18, s14;
	s17 =	simm.s32 @p2 $0xF41C8;
	s16 =	simm.s32 @p3 $0x60  }
0x10: {  	s15 =	ssub.s32 @!p1 s17, s15;
	s14 =	ssub.s32 @!p1 s16, s14  }
0x11: {  	s18 =	smov.u32 s12;
	s16 =	sadd.s32 @!p1 $0xFFF0BE38, s15;
	s17 =	sadd.s32 @!p1 $0xFFFFFFA0, s14  }
0x12: {  	s15 =	ssub.s32 @!p1 $0xF4248, s15;
	p2 =	sgt.s32 @!p1 s16, $0x7F;
	p3 =	sgt.s32 @!p1 s17, $0x1F  }
0x13: {  	s14 =	ssub.s32 @!p1 $0x80, s14;
	p2 =	por !p2, p1;
	p3 =	por !p3, p1  }
0x14: {  	s16 =	sadd.s32 $0x1000, s11;
	s15 =	simm.s32 @!p2 $0x0;
	s14 =	simm.s32 @!p3 $0x0  }
0x15: {  	p2 =	sgt.s32 s16, $0xF4240;
	s14 =	smul.u32 @!p1 s14, s15;
	s15 =	sadd.s32 $0x20, s12  }
0x16: {  	s18 =	smov.u32 @p2 s15  }
0x17: {  	s16 =	smov.u32 @p2 s3;
	p2 =	sgt.s32 s18, $0x1F  }
0x18: {  	p0 =	por !p0, !p0;
	s18 =	simm.s32 @p2 $0x0;
	p2 =	sne.s32 s13, s7  }
.Ltmp1:
0x19: {  	s17 =	simm.s32 @!p1 $0x2;
	s14 =	sshrl.u32 @!p1 s14, $0x1;
	(pc) =	sbr.rel @!p2 .LBB1_6-.Ltmp1, $4  }
0x1a: {  	s15 =	smov.u32 s9;
	s9 =	smov.u32 s11;
	s14 =	sand.u32 @!p1 $0x3FFFFFFF, s14  }
0x1b: {  	s11 =	smov.u32 s16;
	s13 =	sadd.s32 $0x1, s13;
	_ =	swait.ge @!p1 [sflag:s17], s14  }
0x1c: {  	s19 =	ssub.s32 @!p1 $0x0, s14;
	s14 =	smov.u32 s10;
	[sflag:s17] =	ssyncset.done @!p1 $0x0  }
0x1d: {  	s10 =	smov.u32 s12;
	s12 =	smov.u32 s18;
	[sflag:s17] =	ssyncadd.s32 @!p1 s19  }
.LBB1_1:
0x1e: {  	p1 =	sgt.u32 s13, s6  }
0x1f: {  	s16 =	sshrl.u32 @!p1 s12, $0x3  }
0x20: {  	s17 =	sshll.u32 @!p1 s11, $0x3;
	s16 =	smul.u32 @!p1 $0x7A1400, s16  }
0x21: {  	s18 =	sshll.u32 @!p1 s12, $0x7;
	s17 =	sand.u32 @!p1 $0xFFFFFC00, s17  }
0x22: {  	s16 =	sadd.s32 @!p1 s16, s17;
	s17 =	sand.u32 @!p1 $0x300, s18;
	s18 =	sshll.u32 @!p1 s11, $0x1  }
0x23: {  	s16 =	sor.u32 @!p1 s17, s16;
	s17 =	sand.u32 @!p1 $0xFE, s18  }
0x24: {  	s18 =	sand.u32 @!p1 $0x1, s12;
	s16 =	sor.u32 @!p1 s17, s16  }
0x25: {  	s17 =	sor.u32 @!p1 s18, s16  }
0x26: {  	s18 =	smulhi.u32 @!p1 $0x218D6287, s17;
	_ =	sdelay $0x1  }
0x27: {  	s16 =	smulhi.u32 @!p1 $0x218D6287, s16;
	s18 =	sshrl.u32 @!p1 s18, $0x11  }
0x28: {  	s18 =	smul.u32 @!p1 $0xF4280, s18  }
0x29: {  	s16 =	sshrl.u32 @!p1 s16, $0x11  }
0x2a: {  	s16 =	sand.u32 @!p1 $0x1F, s16;
	s17 =	ssub.s32 @!p1 s17, s18  }
0x2b: {  	s16 =	smul.u32 @!p1 $0xF428, s16;
	s18 =	sshrl.u32 @!p1 s17, $0x4  }
0x2c: {  	s19 =	sxor.u32 @!p1 $0xFFFFFFFF, s13;
	s17 =	sshll.u32 @!p1 s17, $0x11;
	s18 =	sadd.s32 @!p1 s2, s18  }
0x2d: {  	s17 =	sand.u32 @!p1 $0x1C0000, s17;
	s16 =	sadd.s32 @!p1 s16, s18;
	s18 =	sshll.u32 @!p1 s19, $0xB  }
0x2e: {  	s17 =	sor.u32 @!p1 $0x200, s17;
	s19 =	simm.s32 @!p1 $0x3D0A00;
	s18 =	sand.u32 @!p1 $0x800, s18  }
0x2f: {  	[tilespmem:s18], [sflag:$0x1] =	stream.strided.gather @!p1 [hbm4b:s16+s17], $0x800, s19, s17, $0x38;
	[tilespmem:$0x2080] =	vst v63  }
0x30: {  	p1 =	seq.s32 s13, $0x0  }
0x31: {  	p2 =	sge.u32 @!p1 s13, s7  }
0x32: {  	p1 =	por p1, p2  }
.Ltmp2:
0x33: {  	_ = 	snop;
	(pc) =	sbr.rel @p1 .LBB1_5-.Ltmp2, $1  }
0x34: {  	_ =	sdelay $0x3  }
0x35: {  	s16 =	simm.s32 $0x1  }
0x36: {  	_ =	swait.ge [sflag:s4], $0x800;
	s16 =	simm.s32 @!p0 $0x0  }
0x37: {  	[sflag:s4] =	ssyncset.done $0x0;
	s16 =	sshll.u32 s16, $0xB  }
0x38: {  	[sflag:s4] =	ssyncadd.s32 $0xFFFFF800;
	s16 =	sor.u32 $0x40, s16  }
0x39: {  	v0 =	vld [tilespmem:s16+$0x20]  }
0x3a: {  	v1 =	vld [tilespmem:s16+$0x30]  }
0x3b: {  	v2 =	vld [tilespmem:s16+$0xFFFFFFD0]  }
0x3c: {  	v5 =	vld [tilespmem:s16+$0x0]  }
0x3d: {  	v6 =	vld [tilespmem:s16+$0x10]  }
0x3e: {  	s17 =	sand.u32 $0x1, s13;
	v3 =	vld [tilespmem:s16+$0xFFFFFFE0]  }
0x3f: {  	s17 =	smul.u32 $0x2100, s17;
	v4 =	vld [tilespmem:s16+$0xFFFFFFF0]  }
0x40: {  	s18 =	simm.s32 $0x0;
	v1 =	vperm.xlane.i2c.b16 v1  }
0x41: {  	s19 =	sand.u32 $0x1C, s18;
	s17 =	sshrl.u32 s17, $0x2;
	v8 =	vld [tilespmem:s16+$0xFFFFFFC0];
	s20 =	sadd.s32 $0x80, s16;
	v7 =	vperm.xlane.i2c.b16 v0;
	v0 =	vperm.xlane.i2c.b16 v2  }
0x42: {  	s30 =	sand.u32 $0x20, s18;
	s31 =	sshrl.u32 s19, $0x1;
	s16 =	sor.u32 $0x1000, s17;
	v11 =	vld [tilespmem:s20+$0x30];
	v10 =	vperm.xlane.i2c.b16 v5;
	v13 =	vperm.xlane.i2c.b16 v6  }
0x43: {  	s17 =	sshrl.u32 s30, $0x1;
	s18 =	sadd.s32 s31, s16;
	v2 =	vld [tilespmem:s20+$0x20];
	v3 =	vperm.xlane.i2c.b16 v3;
	v9 =	vcombine.low v7, v1  }
0x44: {  	v12 =	vld [tilespmem:s20+$0xFFFFFFD0];
	s17 =	sadd.s32 s17, s18;
	v4 =	vperm.xlane.i2c.b16 v4;
	v14 =	vcombine.low v10, v13  }
0x45: {  	v1 =	vcombine.high v7, v1;
	v7 =	vld [tilespmem:s20+$0xFFFFFFE0];
	[tilespmem:s17+$0x630 ss:$0x21] =	vst.msk $0xffff, v9  }
0x46: {  	v6 =	vld [tilespmem:s20+$0xFFFFFFF0];
	v5 =	vperm.xlane.i2c.b16 v8;
	v9 =	vcombine.low v3, v4;
	[tilespmem:s17+$0x420 ss:$0x21] =	vst.msk $0xffff, v14  }
0x47: {  	s18 =	simm.s32 $0x4;
	v8 =	vperm.xlane.i2c.b16 v11;
	[tilespmem:s17+$0x631 ss:$0x21] =	vst.msk $0xffff, v1;
	v1 =	vcombine.high v3, v4;
	v4 =	vld [tilespmem:s20+$0x0]  }
0x48: {  	s19 =	simm.s32 $0x2;
	s22 =	sand.u32 $0x1C, s18;
	v10 =	vcombine.high v10, v13;
	v3 =	vld [tilespmem:s20+$0x10];
	[tilespmem:s17+$0x210 ss:$0x21] =	vst.msk $0xffff, v9;
	v9 =	vperm.xlane.i2c.b16 v2  }
0x49: {  	s21 =	sand.u32 $0x20, s18;
	s22 =	sshrl.u32 s22, $0x1;
	v11 =	vcombine.low v5, v0;
	v2 =	vld [tilespmem:s20+$0xFFFFFFC0];
	s20 =	sadd.s32 $0x80, s20;
	[tilespmem:s17+$0x211 ss:$0x21] =	vst.msk $0xffff, v1;
	v1 =	vperm.xlane.i2c.b16 v12  }
.LBB1_3:
0x4a: {  	v12 =	vld [tilespmem:s20+$0x20];
	s22 =	sadd.s32 s22, s16;
	s21 =	sshrl.u32 s21, $0x1;
	v13 =	vperm.xlane.i2c.b16 v7;
	v7 =	vcombine.low v9, v8;
	[tilespmem:s17+$0x421 ss:$0x21] =	vst.msk $0xffff, v10  }
0x4b: {  	s19 =	sadd.s32 $0x2, s19;
	v14 =	vld [tilespmem:s20+$0x30];
	s21 =	sadd.s32 s21, s22;
	v10 =	vperm.xlane.i2c.b16 v6;
	v6 =	vcombine.high v9, v8;
	[tilespmem:s17+$0x0 ss:$0x21] =	vst.msk $0xffff, v11  }
0x4c: {  	p1 =	slt.u32 s19, $0x1E;
	v11 =	vld [tilespmem:s20+$0xFFFFFFD0];
	v8 =	vperm.xlane.i2c.b16 v4;
	[tilespmem:s21+$0x630 ss:$0x21] =	vst.msk $0xffff, v7;
	v4 =	vcombine.high v5, v0;
	v0 =	vmov v1  }
.Ltmp3:
0x4d: {  	v7 =	vld [tilespmem:s20+$0xFFFFFFE0];
	v1 =	vcombine.low v13, v10;
	v3 =	vperm.xlane.i2c.b16 v3;
	[tilespmem:s21+$0x631 ss:$0x21] =	vst.msk $0xffff, v6;
	(pc) =	sbr.rel @p1 .LBB1_3-.Ltmp3, $4  }
0x4e: {  	v6 =	vld [tilespmem:s20+$0xFFFFFFF0];
	v5 =	vperm.xlane.i2c.b16 v2;
	v2 =	vcombine.high v13, v10;
	[tilespmem:s17+$0x1 ss:$0x21] =	vst.msk $0xffff, v4;
	s17 =	smov.u32 s21  }
0x4f: {  	s18 =	sadd.s32 $0x4, s18;
	v4 =	vld [tilespmem:s20+$0x0];
	[tilespmem:s17+$0x210 ss:$0x21] =	vst.msk $0xffff, v1;
	v13 =	vcombine.low v8, v3;
	v10 =	vcombine.high v8, v3  }
0x50: {  	s22 =	sand.u32 $0x1C, s18;
	v9 =	vperm.xlane.i2c.b16 v12;
	v3 =	vld [tilespmem:s20+$0x10];
	v8 =	vperm.xlane.i2c.b16 v14;
	[tilespmem:s17+$0x211 ss:$0x21] =	vst.msk $0xffff, v2  }
0x51: {  	s22 =	sshrl.u32 s22, $0x1;
	s21 =	sand.u32 $0x20, s18;
	v2 =	vld [tilespmem:s20+$0xFFFFFFC0];
	v1 =	vperm.xlane.i2c.b16 v11;
	s20 =	sadd.s32 $0x80, s20;
	v11 =	vcombine.low v5, v0;
	[tilespmem:s17+$0x420 ss:$0x21] =	vst.msk $0xffff, v13  }
0x52: {  	s18 =	sadd.s32 s22, s16;
	s19 =	sshll.u32 s9, $0x7;
	s20 =	sshll.u32 s10, $0x3  }
0x53: {  	s21 =	sshrl.u32 s21, $0x1;
	s24 =	sshll.u32 s10, $0x1;
	p1 =	sgt.s32 s9, $0xF41C8  }
0x54: {  	s22 =	smov.u32 s9;
	s26 =	sshra.s32 s9, $0x1F;
	s23 =	sand.u32 $0xFFFFFC00, s19  }
0x55: {  	s20 =	sand.u32 $0xFFFFFC00, s20;
	s19 =	sand.u32 $0x300, s19;
	s25 =	sand.u32 $0x80, s24  }
0x56: {  	s18 =	sadd.s32 s21, s18;
	s22 =	simm.s32 @!p1 $0xF41C8;
	p1 =	sgt.s32 s10, $0x60  }
0x57: {  	s21 =	smov.u32 s10;
	s20 =	sadd.s32 s20, s23;
	s23 =	sshra.s32 s10, $0x1F  }
0x58: {  	s21 =	simm.s32 @!p1 $0x60;
	s19 =	sor.u32 s19, s20;
	s20 =	sand.u32 s26, s9  }
0x59: {  	v7 =	vperm.xlane.i2c.b16 v7;
	[tilespmem:s17+$0x421 ss:$0x21] =	vst.msk $0xffff, v10;
	v0 =	vcombine.high v5, v0;
	s23 =	sand.u32 s23, s10;
	s19 =	sor.u32 s25, s19;
	s20 =	ssub.s32 s22, s20  }
0x5a: {  	v57 =	vcombine.low v9, v8;
	v6 =	vperm.xlane.i2c.b16 v6;
	[tilespmem:s17+$0x0 ss:$0x21] =	vst.msk $0xffff, v11;
	s21 =	ssub.s32 s21, s23;
	s19 =	sshrl.u32 s19, $0x7;
	s22 =	sadd.s32 $0xFFF0BE38, s20  }
0x5b: {  	v58 =	vcombine.high v9, v8;
	v4 =	vperm.xlane.i2c.b16 v4;
	[tilespmem:s17+$0x1 ss:$0x21] =	vst.msk $0xffff, v0;
	s23 =	sadd.s32 $0xFFFFFFA0, s21;
	s20 =	ssub.s32 $0xF4248, s20;
	s21 =	ssub.s32 $0x80, s21  }
0x5c: {  	[tilespmem:s18+$0x630 ss:$0x21] =	vst.msk $0xffff, v57;
	v59 =	vcombine.low v7, v6;
	v3 =	vperm.xlane.i2c.b16 v3;
	s27 =	smulhi.u32 $0x218DDDB, s19;
	p1 =	sgt.s32 s22, $0x7F;
	p2 =	sgt.s32 s23, $0x1F  }
0x5d: {  	[tilespmem:s18+$0x631 ss:$0x21] =	vst.msk $0xffff, v58;
	v60 =	vcombine.high v7, v6;
	s20 =	simm.s32 @p1 $0x0;
	s21 =	simm.s32 @p2 $0x0  }
0x5e: {  	v2 =	vperm.xlane.i2c.b16 v2;
	[tilespmem:s18+$0x210 ss:$0x21] =	vst.msk $0xffff, v59;
	v61 =	vcombine.low v4, v3;
	s17 =	sshrl.u32 s27, $0xD;
	s20 =	smul.u32 s21, s20  }
0x5f: {  	v3 =	vcombine.high v4, v3;
	[tilespmem:s18+$0x211 ss:$0x21] =	vst.msk $0xffff, v60;
	s17 =	smul.u32 $0xF4248, s17  }
.Ltmp4:
0x60: {  	s28 =	sshrl.u32 s10, $0x3;
	s29 =	sand.u32 $0x7, s10;
	v62 =	vcombine.low v2, v1;
	[tilespmem:s18+$0x420 ss:$0x21] =	vst.msk $0xffff, v61;
	(pc) =	sbr.rel .LBB1_5-.Ltmp4, $4  }
0x61: {  	v63 =	vcombine.high v2, v1;
	[tilespmem:s18+$0x421 ss:$0x21] =	vst.msk $0xffff, v3;
	s21 =	sshll.u32 s29, $0x12;
	s17 =	ssub.s32 s19, s17;
	s19 =	sand.u32 $0x7, s28  }
0x62: {  	[tilespmem:s18+$0x0 ss:$0x21] =	vst.msk $0xffff, v62;
	s20 =	sshrl.u32 s20, $0x1;
	s17 =	sshll.u32 s17, $0x3;
	s19 =	sadd.s32 s5, s19  }
0x63: {  	[tilespmem:s18+$0x1 ss:$0x21] =	vst.msk $0xffff, v63;
	s31 =	sor.u32 $0x20, s21;
	s30 =	sand.u32 $0x3FFFFFFF, s20;
	s17 =	sadd.s32 s17, s19  }
0x64: {  	[hbm4b:s17+s31] =	stream.strided.scatter [tilespmem:s16], [sflag:$0x2], s30, s8, s31, $0x10;
	[tilespmem:$0x2080] =	vst v63  }
.LBB1_6:
0x65: {  	_ =	sfence.sel $0x180000  }
0x66: {  	s2 =	simm.s32 $0x1;
	[bflag:$0x0] =	sbarrier.arrive $0xFFFF  }
0x67: {  	s31 =	simm.s32 $0x2;
	[sflag:s2] =	ssyncpa.u1 $0x1  }
0x68: {  	[sflag:s31] =	ssyncpa.u1 $0x1  }
0x69: {  	p0 =	sne.s32 s1, $0x0;
	_ =	strace $0x9000004A  }
0x6a: {  	s0 =	sadd.s32 @!p0 $0x100000, s0;
	[bflag:$0x2] =	sbarrier.arrive $0xFFFF  }
0x6b: {  	[sflag:s0] =	ssyncadd.tile.s32 @!p0 $0x1;
	_ =	shalt  }
.Lfunc_end1:
_tile_overlayer_lowered:
.L_overlay_start_2:
0x6c: {  	(tag) =	ssettag $0x2  }
0x6d: {  	s0 =	rddreg [dreg:$0x0];
	s2 =	stileid.u32  }
0x6e: {  	s1 =	rddreg [dreg:$0x1];
	p0 =	sne.s32 s2, $0x0  }
0x6f: {  	s3 =	rddreg [dreg:$0x2];
	[bflag:$0x3] =	sbarrier.arrive $0xFFFF;
	s2 =	simm.s32 @!p0 $0x1C01  }
0x70: {  	[timem:s3], [sflag:s2] =	dma.local @!p0 [hbm:s0], s1  }
0x71: {  	s0 =	simm.s32 @!p0 $0x1  }
0x72: {  	_ =	swait.ge @!p0 [sflag:s0], s1  }
0x73: {  	s1 =	ssub.s32 @!p0 $0x0, s1;
	[sflag:s0] =	ssyncset.done @!p0 $0x0  }
0x74: {  	[sflag:s0] =	ssyncadd.s32 @!p0 s1  }
0x75: {  	[bflag:$0x3] =	sbarrier.arrive $0xFFFF  }
0x76: {  	_ =	shalt  }

// kernel: sparse-core-data-format-call.cloned.1.call-start
scs
called_computation_lowered:
.L_overlay_start_0:
0x0: {  	s1 =	sld [smem:$0x3FD9]  }
0x1: {  	s2 =	sld [smem:$0x3FFE];
	_ =	sdelay $0x1  }
0x2: {  	s3 =	srdreg.scid  }
0x3: {  	s0 =	sand.u32 $0x1, s3  }
0x4: {  	s17 =	sshll.u32 s0, $0xA;
	s1 =	sadd.s32 s2, s1  }
0x5: {  	s1 =	sadd.s32 s1, s17  }
0x6: {  	[smem:$0x3FBC] =	sst s1  }
0x7: {  	_ = 	snop  }
0x8: {  	(tm) =	ssettm $0x1  }
0x9: {  	s18 =	sld [smem:$0x3FFB];
	_ =	sdelay $0x3  }
0xa: {  	_ =	strace s18  }
0xb: {  	s1 =	sld [smem:$0x3FFC];
	_ =	sdelay $0x3  }
0xc: {  	_ =	strace s1  }
0xd: {  	s1 =	sld [smem:$0x3FFD];
	_ =	sdelay $0x3  }
0xe: {  	_ =	strace s1  }
0xf: {  	_ =	strace $0x8FFFFFFF  }
0x10: {  	s19 =	sld [smem:$0x3FDB];
	_ =	sdelay $0x1  }
0x11: {  	s20 =	simm.s32 $_scs_section_size  }
0x12: {  	s4 =	simm.s32 $_size__tile_overlayer_lowered;
	s5 =	simm.s32 $_tile_overlayer_lowered  }
0x13: {  	s23 =	simm.s32 $0x1BFF;
	s22 =	sshll.u32 s5, $0x1;
	s1 =	sadd.s32 s20, s19  }
0x14: {  	s6 =	simm.s32 $0x0;
	s21 =	sshll.u32 s4, $0x1;
	s4 =	sadd.s32 s22, s1  }
0x15: {  	[timem:s6], [sflag:s23] =	dma.local [hbm:s4], s21  }
0x16: {  	_ =	swait.ge [sflag:s23], s21  }
0x17: {  	s2 =	ssub.s32 $0x0, s21;
	[sflag:s23] =	ssyncset.done $0x0  }
0x18: {  	[sflag:s23] =	ssyncadd.s32 s2;
	_ =	sdelay $0x1  }
0x19: {  	s24 =	simm.s32 $0x1B8B  }
0x1a: {  	_ =	swait.ge [sflag:s24], $0x1  }
0x1b: {  	[sflag:s24] =	ssyncset.done $0x0  }
0x1c: {  	s26 =	simm.s32 $0x1B8E;
	s25 =	sld [smem:$0x3FFE];
	[sflag:s24] =	ssyncadd.s32 $0xFFFFFFFF  }
0x1d: {  	s27 =	simm.s32 $execute0_lowered;
	[smem:$0x3FD2] =	sst s26  }
0x1e: {  	s4 =	sshll.u32 s27, $0x1;
	_ =	strace $0x80000046;
	[dreg:$0x1] =	wrdreg $0xFFFFFFFF  }
0x1f: {  	s28 =	simm.s32 $_size_execute0_lowered;
	s1 =	sadd.s32 s1, s4;
	[dreg:$0x0] =	wrdreg $0x0  }
0x20: {  	s4 =	sshll.u32 s28, $0x1;
	[dreg:$0x2] =	wrdreg s1  }
0x21: {  	[dreg:$0x3] =	wrdreg s4  }
0x22: {  	[dreg:$0x4] =	wrdreg $0xC0  }
0x23: {  	_ =	task [dreg:s6], $0x5FFFF  }
0x24: {  	[dreg:$0x1] =	wrdreg $0xFFFFFFFF  }
0x25: {  	[dreg:$0x0] =	wrdreg $0x60  }
0x26: {  	[dreg:$0x2] =	wrdreg s25  }
0x27: {  	[dreg:$0x3] =	wrdreg $0x9  }
0x28: {  	_ =	task.clear_ibuf [dreg:s6], $0x4FFFF;
	_ =	strace $0x90000046  }
0x29: {  	s29 =	simm.s32 $0x9;
	_ =	strace $0x80000048  }
0x2a: {  	_ =	swait.ge [sflag:s29], $0x1  }
0x2b: {  	[sflag:s29] =	ssyncadd.s32 $0xFFFFFFFF  }
0x2c: {  	_ =	strace $0x90000048  }
0x2d: {  	_ =	sfence  }
0x2e: {  	s30 =	sld [smem:$0x0];
	_ =	sdelay $0x2  }
0x2f: {  	s31 =	sshll.u32 s3, $0xD;
	s3 =	sshrl.u32 s3, $0x2  }
0x30: {  	s2 =	sand.u32 $0x4000, s31;
	s1 =	sadd.s32 s3, s30  }
0x31: {  	s0 =	sor.u32 s2, s0;
	s1 =	sshll.u32 s1, $0x11  }
0x32: {  	s0 =	sor.u32 s1, s0  }
0x33: {  	s0 =	sadd.s32 $0x8F2B, s0  }
0x34: {  	[sflag:s0] =	ssyncadd.remote.s32 $0x1  }
0x35: {  	_ =	sfence.sel $0xFFFF  }
0x36: {  	[dreg:$0x0] =	wrdreg $0xFFFFFFFF;
	(pc) =	sbr.abs _section_cstart, $3  }
0x37: {  	[dreg:$0x1] =	wrdreg $0xFFFFFFFF  }
0x38: {  	_ =	task.clear_ibuf [dreg:s6], $0x2FFFF;
	_ =	strace $0x9FFFFFFF  }
0x39: {  	(tm) =	ssettm $0x7FFFFFFF  }
tec
execute0_lowered:
.L_overlay_start_1:
0x0: {  	(tag) =	ssettag $0x1  }
0x1: {  	s0 =	srdreg.scid  }
0x2: {  	s5 =	rddreg [dreg:$0x0];
	s1 =	stileid.u32;
	s4 =	simm.s32 $0x1  }
0x3: {  	s6 =	simm.s32 $0x2;
	s15 =	simm.s32 $0x0;
	p0 =	por $0x0, $0x0  }
0x4: {  	s8 =	simm.s32 $0x80;
	s14 =	simm.s32 $0x0;
	s2 =	sshll.u32 s0, $0x4  }
0x5: {  	s9 =	simm.s32 $0x0;
	s10 =	simm.s32 $0x0;
	s2 =	sand.u32 $0x10, s2  }
.Ltmp0:
0x6: {  	s12 =	simm.s32 $0x0;
	s3 =	sor.u32 s1, s2;
	(pc) =	sbr.rel .LBB1_1-.Ltmp0, $4  }
0x7: {  	s0 =	rddreg [dreg:$0x1];
	_ =	strace $0x80000047;
	s3 =	sshll.u32 s3, $0x7  }
0x8: {  	s13 =	simm.s32 $0x0;
	[sflag:s4] =	ssyncpa.u1 $0x0;
	s7 =	ssub.s32 $0xF4200, s3  }
0x9: {  	s2 =	sadd.s32 $0x2000, s5;
	[sflag:s6] =	ssyncpa.u1 $0x0;
	s6 =	sshrl.u32 s7, $0xC  }
0xa: {  	s5 =	sadd.s32 $0x1EA600, s5;
	s11 =	smov.u32 s3;
	s7 =	sadd.s32 $0x2, s6  }
.LBB1_5:
0xb: {  	p1 =	slt.u32 s13, $0x2  }
0xc: {  	s17 =	smov.u32 s15;
	p2 =	sgt.s32 @!p1 s15, $0xF41C8;
	s16 =	sshra.s32 @!p1 s15, $0x1F  }
0xd: {  	p3 =	sgt.s32 @!p1 s14, $0x60;
	s18 =	sshra.s32 @!p1 s14, $0x1F;
	p2 =	por !p2, p1  }
0xe: {  	s15 =	sand.u32 @!p1 s16, s15;
	p3 =	por !p3, p1;
	s16 =	smov.u32 s14  }
0xf: {  	s14 =	sand.u32 @!p1 s18, s14;
	s17 =	simm.s32 @p2 $0xF41C8;
	s16 =	simm.s32 @p3 $0x60  }
0x10: {  	s15 =	ssub.s32 @!p1 s17, s15;
	s14 =	ssub.s32 @!p1 s16, s14  }
0x11: {  	s18 =	smov.u32 s12;
	s16 =	sadd.s32 @!p1 $0xFFF0BE38, s15;
	s17 =	sadd.s32 @!p1 $0xFFFFFFA0, s14  }
0x12: {  	s15 =	ssub.s32 @!p1 $0xF4248, s15;
	p2 =	sgt.s32 @!p1 s16, $0x7F;
	p3 =	sgt.s32 @!p1 s17, $0x1F  }
0x13: {  	s14 =	ssub.s32 @!p1 $0x80, s14;
	p2 =	por !p2, p1;
	p3 =	por !p3, p1  }
0x14: {  	s16 =	sadd.s32 $0x1000, s11;
	s15 =	simm.s32 @!p2 $0x0;
	s14 =	simm.s32 @!p3 $0x0  }
0x15: {  	p2 =	sgt.s32 s16, $0xF4240;
	s14 =	smul.u32 @!p1 s14, s15;
	s15 =	sadd.s32 $0x20, s12  }
0x16: {  	s18 =	smov.u32 @p2 s15  }
0x17: {  	s16 =	smov.u32 @p2 s3;
	p2 =	sgt.s32 s18, $0x1F  }
0x18: {  	p0 =	por !p0, !p0;
	s18 =	simm.s32 @p2 $0x0;
	p2 =	sne.s32 s13, s7  }
.Ltmp1:
0x19: {  	s17 =	simm.s32 @!p1 $0x2;
	s14 =	sshrl.u32 @!p1 s14, $0x1;
	(pc) =	sbr.rel @!p2 .LBB1_6-.Ltmp1, $4  }
0x1a: {  	s15 =	smov.u32 s9;
	s9 =	smov.u32 s11;
	s14 =	sand.u32 @!p1 $0x3FFFFFFF, s14  }
0x1b: {  	s11 =	smov.u32 s16;
	s13 =	sadd.s32 $0x1, s13;
	_ =	swait.ge @!p1 [sflag:s17], s14  }
0x1c: {  	s19 =	ssub.s32 @!p1 $0x0, s14;
	s14 =	smov.u32 s10;
	[sflag:s17] =	ssyncset.done @!p1 $0x0  }
0x1d: {  	s10 =	smov.u32 s12;
	s12 =	smov.u32 s18;
	[sflag:s17] =	ssyncadd.s32 @!p1 s19  }
.LBB1_1:
0x1e: {  	p1 =	sgt.u32 s13, s6  }
0x1f: {  	s16 =	sshrl.u32 @!p1 s12, $0x3  }
0x20: {  	s17 =	sshll.u32 @!p1 s11, $0x3;
	s16 =	smul.u32 @!p1 $0x7A1400, s16  }
0x21: {  	s18 =	sshll.u32 @!p1 s12, $0x7;
	s17 =	sand.u32 @!p1 $0xFFFFFC00, s17  }
0x22: {  	s16 =	sadd.s32 @!p1 s16, s17;
	s17 =	sand.u32 @!p1 $0x300, s18;
	s18 =	sshll.u32 @!p1 s11, $0x1  }
0x23: {  	s16 =	sor.u32 @!p1 s17, s16;
	s17 =	sand.u32 @!p1 $0xFE, s18  }
0x24: {  	s18 =	sand.u32 @!p1 $0x1, s12;
	s16 =	sor.u32 @!p1 s17, s16  }
0x25: {  	s17 =	sor.u32 @!p1 s18, s16  }
0x26: {  	s18 =	smulhi.u32 @!p1 $0x218D6287, s17;
	_ =	sdelay $0x1  }
0x27: {  	s16 =	smulhi.u32 @!p1 $0x218D6287, s16;
	s18 =	sshrl.u32 @!p1 s18, $0x11  }
0x28: {  	s18 =	smul.u32 @!p1 $0xF4280, s18  }
0x29: {  	s16 =	sshrl.u32 @!p1 s16, $0x11  }
0x2a: {  	s16 =	sand.u32 @!p1 $0x1F, s16;
	s17 =	ssub.s32 @!p1 s17, s18  }
0x2b: {  	s16 =	smul.u32 @!p1 $0xF428, s16;
	s18 =	sshrl.u32 @!p1 s17, $0x4  }
0x2c: {  	s19 =	sxor.u32 @!p1 $0xFFFFFFFF, s13;
	s17 =	sshll.u32 @!p1 s17, $0x11;
	s18 =	sadd.s32 @!p1 s2, s18  }
0x2d: {  	s17 =	sand.u32 @!p1 $0x1C0000, s17;
	s16 =	sadd.s32 @!p1 s16, s18;
	s18 =	sshll.u32 @!p1 s19, $0xB  }
0x2e: {  	s17 =	sor.u32 @!p1 $0x200, s17;
	s19 =	simm.s32 @!p1 $0x3D0A00;
	s18 =	sand.u32 @!p1 $0x800, s18  }
0x2f: {  	[tilespmem:s18], [sflag:$0x1] =	stream.strided.gather @!p1 [hbm4b:s16+s17], $0x800, s19, s17, $0x38;
	[tilespmem:$0x2080] =	vst v63  }
0x30: {  	p1 =	seq.s32 s13, $0x0  }
0x31: {  	p2 =	sge.u32 @!p1 s13, s7  }
0x32: {  	p1 =	por p1, p2  }
.Ltmp2:
0x33: {  	_ = 	snop;
	(pc) =	sbr.rel @p1 .LBB1_5-.Ltmp2, $1  }
0x34: {  	_ =	sdelay $0x3  }
0x35: {  	s16 =	simm.s32 $0x1  }
0x36: {  	_ =	swait.ge [sflag:s4], $0x800;
	s16 =	simm.s32 @!p0 $0x0  }
0x37: {  	[sflag:s4] =	ssyncset.done $0x0;
	s16 =	sshll.u32 s16, $0xB  }
0x38: {  	[sflag:s4] =	ssyncadd.s32 $0xFFFFF800;
	s16 =	sor.u32 $0x40, s16  }
0x39: {  	v0 =	vld [tilespmem:s16+$0x20]  }
0x3a: {  	v1 =	vld [tilespmem:s16+$0x30]  }
0x3b: {  	v2 =	vld [tilespmem:s16+$0xFFFFFFD0]  }
0x3c: {  	v5 =	vld [tilespmem:s16+$0x0]  }
0x3d: {  	v6 =	vld [tilespmem:s16+$0x10]  }
0x3e: {  	s17 =	sand.u32 $0x1, s13;
	v3 =	vld [tilespmem:s16+$0xFFFFFFE0]  }
0x3f: {  	s17 =	smul.u32 $0x2100, s17;
	v4 =	vld [tilespmem:s16+$0xFFFFFFF0]  }
0x40: {  	s18 =	simm.s32 $0x0;
	v1 =	vperm.xlane.i2c.b16 v1  }
0x41: {  	s19 =	sand.u32 $0x1C, s18;
	s17 =	sshrl.u32 s17, $0x2;
	v8 =	vld [tilespmem:s16+$0xFFFFFFC0];
	s20 =	sadd.s32 $0x80, s16;
	v7 =	vperm.xlane.i2c.b16 v0;
	v0 =	vperm.xlane.i2c.b16 v2  }
0x42: {  	s30 =	sand.u32 $0x20, s18;
	s31 =	sshrl.u32 s19, $0x1;
	s16 =	sor.u32 $0x1000, s17;
	v11 =	vld [tilespmem:s20+$0x30];
	v10 =	vperm.xlane.i2c.b16 v5;
	v13 =	vperm.xlane.i2c.b16 v6  }
0x43: {  	s17 =	sshrl.u32 s30, $0x1;
	s18 =	sadd.s32 s31, s16;
	v2 =	vld [tilespmem:s20+$0x20];
	v3 =	vperm.xlane.i2c.b16 v3;
	v9 =	vcombine.low v7, v1  }
0x44: {  	v12 =	vld [tilespmem:s20+$0xFFFFFFD0];
	s17 =	sadd.s32 s17, s18;
	v4 =	vperm.xlane.i2c.b16 v4;
	v14 =	vcombine.low v10, v13  }
0x45: {  	v1 =	vcombine.high v7, v1;
	v7 =	vld [tilespmem:s20+$0xFFFFFFE0];
	[tilespmem:s17+$0x630 ss:$0x21] =	vst.msk $0xffff, v9  }
0x46: {  	v6 =	vld [tilespmem:s20+$0xFFFFFFF0];
	v5 =	vperm.xlane.i2c.b16 v8;
	v9 =	vcombine.low v3, v4;
	[tilespmem:s17+$0x420 ss:$0x21] =	vst.msk $0xffff, v14  }
0x47: {  	s18 =	simm.s32 $0x4;
	v8 =	vperm.xlane.i2c.b16 v11;
	[tilespmem:s17+$0x631 ss:$0x21] =	vst.msk $0xffff, v1;
	v1 =	vcombine.high v3, v4;
	v4 =	vld [tilespmem:s20+$0x0]  }
0x48: {  	s19 =	simm.s32 $0x2;
	s22 =	sand.u32 $0x1C, s18;
	v10 =	vcombine.high v10, v13;
	v3 =	vld [tilespmem:s20+$0x10];
	[tilespmem:s17+$0x210 ss:$0x21] =	vst.msk $0xffff, v9;
	v9 =	vperm.xlane.i2c.b16 v2  }
0x49: {  	s21 =	sand.u32 $0x20, s18;
	s22 =	sshrl.u32 s22, $0x1;
	v11 =	vcombine.low v5, v0;
	v2 =	vld [tilespmem:s20+$0xFFFFFFC0];
	s20 =	sadd.s32 $0x80, s20;
	[tilespmem:s17+$0x211 ss:$0x21] =	vst.msk $0xffff, v1;
	v1 =	vperm.xlane.i2c.b16 v12  }
.LBB1_3:
0x4a: {  	v12 =	vld [tilespmem:s20+$0x20];
	s22 =	sadd.s32 s22, s16;
	s21 =	sshrl.u32 s21, $0x1;
	v13 =	vperm.xlane.i2c.b16 v7;
	v7 =	vcombine.low v9, v8;
	[tilespmem:s17+$0x421 ss:$0x21] =	vst.msk $0xffff, v10  }
0x4b: {  	s19 =	sadd.s32 $0x2, s19;
	v14 =	vld [tilespmem:s20+$0x30];
	s21 =	sadd.s32 s21, s22;
	v10 =	vperm.xlane.i2c.b16 v6;
	v6 =	vcombine.high v9, v8;
	[tilespmem:s17+$0x0 ss:$0x21] =	vst.msk $0xffff, v11  }
0x4c: {  	p1 =	slt.u32 s19, $0x1E;
	v11 =	vld [tilespmem:s20+$0xFFFFFFD0];
	v8 =	vperm.xlane.i2c.b16 v4;
	[tilespmem:s21+$0x630 ss:$0x21] =	vst.msk $0xffff, v7;
	v4 =	vcombine.high v5, v0;
	v0 =	vmov v1  }
.Ltmp3:
0x4d: {  	v7 =	vld [tilespmem:s20+$0xFFFFFFE0];
	v1 =	vcombine.low v13, v10;
	v3 =	vperm.xlane.i2c.b16 v3;
	[tilespmem:s21+$0x631 ss:$0x21] =	vst.msk $0xffff, v6;
	(pc) =	sbr.rel @p1 .LBB1_3-.Ltmp3, $4  }
0x4e: {  	v6 =	vld [tilespmem:s20+$0xFFFFFFF0];
	v5 =	vperm.xlane.i2c.b16 v2;
	v2 =	vcombine.high v13, v10;
	[tilespmem:s17+$0x1 ss:$0x21] =	vst.msk $0xffff, v4;
	s17 =	smov.u32 s21  }
0x4f: {  	s18 =	sadd.s32 $0x4, s18;
	v4 =	vld [tilespmem:s20+$0x0];
	[tilespmem:s17+$0x210 ss:$0x21] =	vst.msk $0xffff, v1;
	v13 =	vcombine.low v8, v3;
	v10 =	vcombine.high v8, v3  }
0x50: {  	s22 =	sand.u32 $0x1C, s18;
	v9 =	vperm.xlane.i2c.b16 v12;
	v3 =	vld [tilespmem:s20+$0x10];
	v8 =	vperm.xlane.i2c.b16 v14;
	[tilespmem:s17+$0x211 ss:$0x21] =	vst.msk $0xffff, v2  }
0x51: {  	s22 =	sshrl.u32 s22, $0x1;
	s21 =	sand.u32 $0x20, s18;
	v2 =	vld [tilespmem:s20+$0xFFFFFFC0];
	v1 =	vperm.xlane.i2c.b16 v11;
	s20 =	sadd.s32 $0x80, s20;
	v11 =	vcombine.low v5, v0;
	[tilespmem:s17+$0x420 ss:$0x21] =	vst.msk $0xffff, v13  }
0x52: {  	s18 =	sadd.s32 s22, s16;
	s19 =	sshll.u32 s9, $0x7;
	s20 =	sshll.u32 s10, $0x3  }
0x53: {  	s21 =	sshrl.u32 s21, $0x1;
	s24 =	sshll.u32 s10, $0x1;
	p1 =	sgt.s32 s9, $0xF41C8  }
0x54: {  	s22 =	smov.u32 s9;
	s26 =	sshra.s32 s9, $0x1F;
	s23 =	sand.u32 $0xFFFFFC00, s19  }
0x55: {  	s20 =	sand.u32 $0xFFFFFC00, s20;
	s19 =	sand.u32 $0x300, s19;
	s25 =	sand.u32 $0x80, s24  }
0x56: {  	s18 =	sadd.s32 s21, s18;
	s22 =	simm.s32 @!p1 $0xF41C8;
	p1 =	sgt.s32 s10, $0x60  }
0x57: {  	s21 =	smov.u32 s10;
	s20 =	sadd.s32 s20, s23;
	s23 =	sshra.s32 s10, $0x1F  }
0x58: {  	s21 =	simm.s32 @!p1 $0x60;
	s19 =	sor.u32 s19, s20;
	s20 =	sand.u32 s26, s9  }
0x59: {  	v7 =	vperm.xlane.i2c.b16 v7;
	[tilespmem:s17+$0x421 ss:$0x21] =	vst.msk $0xffff, v10;
	v0 =	vcombine.high v5, v0;
	s23 =	sand.u32 s23, s10;
	s19 =	sor.u32 s25, s19;
	s20 =	ssub.s32 s22, s20  }
0x5a: {  	v57 =	vcombine.low v9, v8;
	v6 =	vperm.xlane.i2c.b16 v6;
	[tilespmem:s17+$0x0 ss:$0x21] =	vst.msk $0xffff, v11;
	s21 =	ssub.s32 s21, s23;
	s19 =	sshrl.u32 s19, $0x7;
	s22 =	sadd.s32 $0xFFF0BE38, s20  }
0x5b: {  	v58 =	vcombine.high v9, v8;
	v4 =	vperm.xlane.i2c.b16 v4;
	[tilespmem:s17+$0x1 ss:$0x21] =	vst.msk $0xffff, v0;
	s23 =	sadd.s32 $0xFFFFFFA0, s21;
	s20 =	ssub.s32 $0xF4248, s20;
	s21 =	ssub.s32 $0x80, s21  }
0x5c: {  	[tilespmem:s18+$0x630 ss:$0x21] =	vst.msk $0xffff, v57;
	v59 =	vcombine.low v7, v6;
	v3 =	vperm.xlane.i2c.b16 v3;
	s27 =	smulhi.u32 $0x218DDDB, s19;
	p1 =	sgt.s32 s22, $0x7F;
	p2 =	sgt.s32 s23, $0x1F  }
0x5d: {  	[tilespmem:s18+$0x631 ss:$0x21] =	vst.msk $0xffff, v58;
	v60 =	vcombine.high v7, v6;
	s20 =	simm.s32 @p1 $0x0;
	s21 =	simm.s32 @p2 $0x0  }
0x5e: {  	v2 =	vperm.xlane.i2c.b16 v2;
	[tilespmem:s18+$0x210 ss:$0x21] =	vst.msk $0xffff, v59;
	v61 =	vcombine.low v4, v3;
	s17 =	sshrl.u32 s27, $0xD;
	s20 =	smul.u32 s21, s20  }
0x5f: {  	v3 =	vcombine.high v4, v3;
	[tilespmem:s18+$0x211 ss:$0x21] =	vst.msk $0xffff, v60;
	s17 =	smul.u32 $0xF4248, s17  }
.Ltmp4:
0x60: {  	s28 =	sshrl.u32 s10, $0x3;
	s29 =	sand.u32 $0x7, s10;
	v62 =	vcombine.low v2, v1;
	[tilespmem:s18+$0x420 ss:$0x21] =	vst.msk $0xffff, v61;
	(pc) =	sbr.rel .LBB1_5-.Ltmp4, $4  }
0x61: {  	v63 =	vcombine.high v2, v1;
	[tilespmem:s18+$0x421 ss:$0x21] =	vst.msk $0xffff, v3;
	s21 =	sshll.u32 s29, $0x12;
	s17 =	ssub.s32 s19, s17;
	s19 =	sand.u32 $0x7, s28  }
0x62: {  	[tilespmem:s18+$0x0 ss:$0x21] =	vst.msk $0xffff, v62;
	s20 =	sshrl.u32 s20, $0x1;
	s17 =	sshll.u32 s17, $0x3;
	s19 =	sadd.s32 s5, s19  }
0x63: {  	[tilespmem:s18+$0x1 ss:$0x21] =	vst.msk $0xffff, v63;
	s31 =	sor.u32 $0x20, s21;
	s30 =	sand.u32 $0x3FFFFFFF, s20;
	s17 =	sadd.s32 s17, s19  }
0x64: {  	[hbm4b:s17+s31] =	stream.strided.scatter [tilespmem:s16], [sflag:$0x2], s30, s8, s31, $0x10;
	[tilespmem:$0x2080] =	vst v63  }
.LBB1_6:
0x65: {  	_ =	sfence.sel $0x180000  }
0x66: {  	s2 =	simm.s32 $0x1;
	[bflag:$0x0] =	sbarrier.arrive $0xFFFF  }
0x67: {  	s31 =	simm.s32 $0x2;
	[sflag:s2] =	ssyncpa.u1 $0x1  }
0x68: {  	[sflag:s31] =	ssyncpa.u1 $0x1  }
0x69: {  	p0 =	sne.s32 s1, $0x0;
	_ =	strace $0x90000047  }
0x6a: {  	s0 =	sadd.s32 @!p0 $0x100000, s0;
	[bflag:$0x2] =	sbarrier.arrive $0xFFFF  }
0x6b: {  	[sflag:s0] =	ssyncadd.tile.s32 @!p0 $0x1;
	_ =	shalt  }
.Lfunc_end1:
_tile_overlayer_lowered:
.L_overlay_start_2:
0x6c: {  	(tag) =	ssettag $0x2  }
0x6d: {  	s0 =	rddreg [dreg:$0x0];
	s2 =	stileid.u32  }
0x6e: {  	s1 =	rddreg [dreg:$0x1];
	p0 =	sne.s32 s2, $0x0  }
0x6f: {  	s3 =	rddreg [dreg:$0x2];
	[bflag:$0x3] =	sbarrier.arrive $0xFFFF;
	s2 =	simm.s32 @!p0 $0x1C01  }
0x70: {  	[timem:s3], [sflag:s2] =	dma.local @!p0 [hbm:s0], s1  }
0x71: {  	s0 =	simm.s32 @!p0 $0x1  }
0x72: {  	_ =	swait.ge @!p0 [sflag:s0], s1  }
0x73: {  	s1 =	ssub.s32 @!p0 $0x0, s1;
	[sflag:s0] =	ssyncset.done @!p0 $0x0  }
0x74: {  	[sflag:s0] =	ssyncadd.s32 @!p0 s1  }
0x75: {  	[bflag:$0x3] =	sbarrier.arrive $0xFFFF  }
0x76: {  	_ =	shalt  }

</sc_bundles>
